<compile_context>
chip_gen: v7x
topology: tpu7x:2x2x1
jax: 0.10.2.dev20260603
libtpu: 0.0.44.dev20260713+nightly
codegen_flags: <defaults>
</compile_context>

<pallas_src>
import functools

import jax
import jax.numpy as jnp
from jax import lax
from jax.experimental import pallas as pl
from jax.experimental.pallas import tpu as pltpu
from jax.experimental.pallas import tpu_sc as plsc

N = 10000
E = 320000
D_IN = 128
D_HID = 16
D_OUT = 64

NC = 2
NS = 16
NW = NC * NS
EPT = E // NW
B = 80
NB = EPT // B
N_PAD = 10240
RPT = N_PAD // NS

_MESH = dict(core_axis_name="c", subcore_axis_name="s", num_cores=NC,
             num_subcores=NS)

_SC_CACHE = {}

_SC_PARAMS = pltpu.CompilerParams(use_tc_tiling_on_sc=False)


def _make_edge_pass(d):

  @functools.partial(
      pl.kernel,
      out_type=jax.ShapeDtypeStruct((NC, N_PAD, d), jnp.float32),
      mesh=plsc.VectorSubcoreMesh(**_MESH),
      scratch_types=[
          pltpu.VMEM((NB, B), jnp.int32),
          pltpu.VMEM((NB, B), jnp.int32),
          pltpu.VMEM((B, d), jnp.float32),
          pltpu.VMEM((B, d), jnp.float32),
          pltpu.SemaphoreType.DMA,
          pltpu.SemaphoreType.DMA,
          pltpu.VMEM_SHARED((N_PAD, d), jnp.float32),
      ],
      compiler_params=_SC_PARAMS,
  )
  def edge_pass(y_hbm, src_hbm, dst_hbm, out_hbm, srcv, dstv, buf0,
                buf1, sem0, sem1, acc):
    cid = lax.axis_index("c")
    sid = lax.axis_index("s")
    wid = sid * NC + cid
    pltpu.sync_copy(src_hbm.at[wid], srcv)
    pltpu.sync_copy(dst_hbm.at[wid], dstv)

    def zrow(i, c):
      for cc in range(d // 16):
        buf0[i, pl.ds(cc * 16, 16)] = jnp.zeros((16,), jnp.float32)
      return c

    lax.fori_loop(0, B, zrow, 0, unroll=False)
    for r in range(RPT // B):
      pltpu.sync_copy(buf0, acc.at[pl.ds(sid * RPT + r * B, B)])
    plsc.subcore_barrier()

    bufs = (buf0, buf1)
    sems = (sem0, sem1)

    def gather(j, b):
      pltpu.async_copy(y_hbm.at[srcv.at[j]], bufs[b], sems[b])

    def gwait(j, b):
      pltpu.make_async_copy(y_hbm.at[srcv.at[j]], bufs[b], sems[b]).wait()

    def scat(j, b):
      pltpu.sync_copy(bufs[b], acc.at[dstv.at[j]], add=True)

    gather(0, 0)

    def step(i, carry):
      j0 = 2 * i
      gather(j0 + 1, 1)
      gwait(j0, 0)
      scat(j0, 0)
      gather(j0 + 2, 0)
      gwait(j0 + 1, 1)
      scat(j0 + 1, 1)
      return carry

    lax.fori_loop(0, (NB - 1) // 2, step, 0, unroll=False)
    gwait(NB - 1, 0)
    scat(NB - 1, 0)
    plsc.subcore_barrier()
    pltpu.sync_copy(acc.at[pl.ds(sid * RPT, RPT)],
                    out_hbm.at[cid, pl.ds(sid * RPT, RPT)])

  return edge_pass


def _make_deg_pass():

  @functools.partial(
      pl.kernel,
      out_type=jax.ShapeDtypeStruct((NC, N_PAD, D_HID), jnp.float32),
      mesh=plsc.VectorSubcoreMesh(**_MESH),
      scratch_types=[
          pltpu.VMEM((NB, B), jnp.int32),
          pltpu.VMEM((B, D_HID), jnp.float32),
          pltpu.SemaphoreType.DMA,
          pltpu.VMEM_SHARED((N_PAD, D_HID), jnp.float32),
      ],
      compiler_params=_SC_PARAMS,
  )
  def deg_pass(dst_hbm, out_hbm, dstv, buf, sem, acc):
    cid = lax.axis_index("c")
    sid = lax.axis_index("s")
    wid = sid * NC + cid
    pltpu.sync_copy(dst_hbm.at[wid], dstv)

    def fill(val):
      def frow(i, c):
        buf[i, :] = jnp.full((16,), val, jnp.float32)
        return c
      lax.fori_loop(0, B, frow, 0, unroll=False)

    fill(0.0)
    for r in range(RPT // B):
      pltpu.sync_copy(buf, acc.at[pl.ds(sid * RPT + r * B, B)])
    fill(1.0)
    plsc.subcore_barrier()

    def fire(j, c):
      pltpu.async_copy(buf, acc.at[dstv.at[j]], sem, add=True)
      return c

    def drain(j, c):
      pltpu.make_async_copy(buf, acc.at[dstv.at[j]], sem).wait()
      return c

    lax.fori_loop(0, NB, fire, 0, unroll=False)
    lax.fori_loop(0, NB, drain, 0, unroll=False)
    plsc.subcore_barrier()
    pltpu.sync_copy(acc.at[pl.ds(sid * RPT, RPT)],
                    out_hbm.at[cid, pl.ds(sid * RPT, RPT)])

  return deg_pass


def _sc_kernels():
  if not _SC_CACHE:
    _SC_CACHE["edge16"] = _make_edge_pass(D_HID)
    _SC_CACHE["deg"] = _make_deg_pass()
  return _SC_CACHE["deg"], _SC_CACHE["edge16"]



_NF16 = N * D_HID // 128


def _tca_body(x8, w1b, dg, yo):
  deg = dg[0, :_NF16] + dg[1, :_NF16] + 1.0
  h = jnp.dot(x8[...], w1b[...], preferred_element_type=jnp.float32)
  yo[...] = h * lax.rsqrt(deg)


def _tcb_body(dg, p1f, y1f, b1f, ho):
  dinv = lax.rsqrt(dg[0, :_NF16] + dg[1, :_NF16] + 1.0)
  h = jnp.maximum(
      (p1f[0, :_NF16] + p1f[1, :_NF16] + y1f[...]) * dinv + b1f[...], 0.0)
  ho[...] = h * dinv


def _tcc_body(dg, p2f, hdf, w2, b2, o):
  dinv = lax.rsqrt(dg[0, :_NF16] + dg[1, :_NF16] + 1.0)
  f = (p2f[0, :_NF16] + p2f[1, :_NF16] + hdf[...]) * dinv
  for c in range(8):
    fc = f[:, c * 16:(c + 1) * 16]
    a = jnp.dot(fc, w2[...], preferred_element_type=jnp.float32) + b2[...]
    m = jnp.max(a, axis=1, keepdims=True)
    ex = jnp.exp(a - m)
    o[:, c, :] = a - (jnp.log(jnp.sum(ex, axis=1, keepdims=True)) + m)


_tca = pl.pallas_call(
    _tca_body,
    out_shape=jax.ShapeDtypeStruct((_NF16, 128), jnp.float32),
)

_tcb = pl.pallas_call(
    _tcb_body,
    out_shape=jax.ShapeDtypeStruct((_NF16, 128), jnp.float32),
)

_tcc = pl.pallas_call(
    _tcc_body,
    out_shape=jax.ShapeDtypeStruct((_NF16, 8, D_OUT), jnp.float32),
)


def kernel(x, edge_index, W1, b1, W2, b2):
  ei = edge_index.astype(jnp.int32)
  src3 = ei[0].reshape(NW, NB, B)
  dst3 = ei[1].reshape(NW, NB, B)

  _deg, _edge16 = _sc_kernels()
  degp = _deg(dst3)
  degf = degp.reshape(NC, 1280, 128)

  x8 = x.reshape(1250, 1024)
  w1b = jnp.kron(jnp.eye(8, dtype=jnp.float32), W1)
  y1f = _tca(x8, w1b, degf)

  p1 = _edge16(y1f.reshape(N, D_HID), src3, dst3)
  p1f = p1.reshape(NC, 1280, 128)
  b1f = jnp.tile(b1, 8).reshape(1, 128)
  hdf = _tcb(degf, p1f, y1f, b1f)

  p2 = _edge16(hdf.reshape(N, D_HID), src3, dst3)
  p2f = p2.reshape(NC, 1280, 128)
  out3 = _tcc(degf, p2f, hdf, W2, b2.reshape(1, D_OUT))
  return out3.reshape(N, D_OUT)

# --- scband reference (transcript-rebuilt; emitter-appended) ---
"""Pipeline reference for scband-gcn-25159918420108 (READ-ONLY COPY).

The authoritative reference and input builder live on the scoring server;
editing this copy changes nothing except your own understanding.
"""

import jax, jax.numpy as jnp
import numpy as np

N_NODES = 10000
N_EDGES = 320000
D_IN = 128
D_HID = 16
N_CLASSES = 64


def setup_inputs(seed: int = 0) -> dict:
    key = jax.random.key(seed)
    k1, k2, k3, k4, k5, k6 = jax.random.split(key, 6)
    x = jax.random.normal(k1, (N_NODES, D_IN), dtype=jnp.float32)
    edge_index = jax.random.randint(k2, (2, N_EDGES), 0, N_NODES, dtype=jnp.int64)
    # glorot-style init for GCNConv weights, zeros bias (PyG default)
    s1 = float(np.sqrt(6.0 / (D_IN + D_HID)))
    W1 = jax.random.uniform(k3, (D_IN, D_HID), dtype=jnp.float32, minval=-s1, maxval=s1)
    b1 = jnp.zeros((D_HID,), dtype=jnp.float32)
    s2 = float(np.sqrt(6.0 / (D_HID + N_CLASSES)))
    W2 = jax.random.uniform(k4, (D_HID, N_CLASSES), dtype=jnp.float32, minval=-s2, maxval=s2)
    b2 = jnp.zeros((N_CLASSES,), dtype=jnp.float32)
    return {"x": x, "edge_index": edge_index, "W1": W1, "b1": b1, "W2": W2, "b2": b2}


def gcn_conv(x, edge_index, W, b, num_nodes):
    # x' = D^{-1/2} (A + I) D^{-1/2} X W + b  (PyG GCNConv with add_self_loops)
    h = x @ W
    src = edge_index[0]
    dst = edge_index[1]
    loop = jnp.arange(num_nodes, dtype=src.dtype)
    src = jnp.concatenate([src, loop])
    dst = jnp.concatenate([dst, loop])
    ones = jnp.ones(src.shape[0], dtype=h.dtype)
    deg = jnp.zeros((num_nodes,), dtype=h.dtype).at[dst].add(ones)
    deg_inv_sqrt = jnp.where(deg > 0, jax.lax.rsqrt(deg), 0.0)
    norm = deg_inv_sqrt[src] * deg_inv_sqrt[dst]
    msg = h[src] * norm[:, None]
    out = jax.ops.segment_sum(msg, dst, num_segments=num_nodes)
    return out + b


def reference(x, edge_index, W1, b1, W2, b2):
    h = gcn_conv(x, edge_index, W1, b1, N_NODES)
    h = jax.nn.relu(h)
    # F.dropout(training=self.training): identity in eval mode
    h = gcn_conv(h, edge_index, W2, b2, N_NODES)
    return jax.nn.log_softmax(h, axis=1)

if __name__ == "__main__":
    import jax
    _d = setup_inputs()
    print(jax.jit(kernel)(*tuple(_d.values())))

</pallas_src>

<mosaic_0001>
#map = affine_map<(d0, d1) -> (0, 0, 0)>
module attributes {stable_mosaic.version = 14 : i64} {
  func.func @deg_pass(%arg0: i32, %arg1: i32, %arg2: memref<32x125x80xi32, #tpu.memory_space<hbm>>, %arg3: memref<2x10240x16xf32, #tpu.memory_space<hbm>>, %arg4: memref<125x80xi32, #tpu.memory_space<vmem>>, %arg5: memref<80x16xf32, #tpu.memory_space<vmem>>, %arg6: memref<!tpu.dma_semaphore, #tpu.memory_space<semaphore_mem>>, %arg7: memref<10240x16xf32, #tpu.memory_space<vmem_shared>>) attributes {dimension_semantics = [#tpu.dimension_semantics<core_parallel>, #tpu.dimension_semantics<subcore_parallel>], iteration_bounds = array<i64: 2, 16>, scalar_prefetch = 0 : i64, scratch_operands = 4 : i64, tpu.core_type = #tpu.core_type<sc_vector_subcore>, window_params = [{transform_indices = #map}, {transform_indices = #map}]} {
    %mul3A = arith.constant 2 : i32
    %mul3A_0 = arith.muli %arg1, %mul3A : i32
    %add3A = arith.addi %mul3A_0, %arg0 : i32
    "tpu.region"() ({
      %run_scoped3A = tpu.sem_alloc : memref<!tpu.dma_semaphore, #tpu.memory_space<semaphore_mem>>
      %dma_start3A = arith.constant 0 : i32
      %dma_start3A_61 = arith.constant 0 : i32
      %dma_start3A_62 = tpu.memref_slice %arg2[%add3A, %dma_start3A, %dma_start3A_61] : memref<32x125x80xi32, #tpu.memory_space<hbm>> -> memref<1x125x80xi32, #tpu.memory_space<hbm>>
      %dma_start3A_63 = tpu.memref_squeeze %dma_start3A_62 : memref<1x125x80xi32, #tpu.memory_space<hbm>> -> memref<125x80xi32, #tpu.memory_space<hbm>>
      %dma_start3A_64 = arith.constant 0 : i32
      %dma_start3A_65 = arith.constant 0 : i32
      %dma_start3A_66 = tpu.memref_slice %arg2[%add3A, %dma_start3A_64, %dma_start3A_65] : memref<32x125x80xi32, #tpu.memory_space<hbm>> -> memref<1x125x80xi32, #tpu.memory_space<hbm>>
      %dma_start3A_67 = tpu.memref_squeeze %dma_start3A_66 : memref<1x125x80xi32, #tpu.memory_space<hbm>> -> memref<125x80xi32, #tpu.memory_space<hbm>>
      tpu.enqueue_dma source(%dma_start3A_67 : memref<125x80xi32, #tpu.memory_space<hbm>>) target(%arg4 : memref<125x80xi32, #tpu.memory_space<vmem>>) target_semaphore(%run_scoped3A : memref<!tpu.dma_semaphore, #tpu.memory_space<semaphore_mem>>)
      %dma_wait3A = arith.constant 0 : i32
      %dma_wait3A_68 = arith.constant 0 : i32
      %dma_wait3A_69 = tpu.memref_slice %arg2[%add3A, %dma_wait3A, %dma_wait3A_68] : memref<32x125x80xi32, #tpu.memory_space<hbm>> -> memref<1x125x80xi32, #tpu.memory_space<hbm>>
      %dma_wait3A_70 = tpu.memref_squeeze %dma_wait3A_69 : memref<1x125x80xi32, #tpu.memory_space<hbm>> -> memref<125x80xi32, #tpu.memory_space<hbm>>
      %dma_wait3A_71 = arith.constant 0 : i32
      %dma_wait3A_72 = arith.constant 0 : i32
      %dma_wait3A_73 = tpu.memref_slice %arg2[%add3A, %dma_wait3A_71, %dma_wait3A_72] : memref<32x125x80xi32, #tpu.memory_space<hbm>> -> memref<1x125x80xi32, #tpu.memory_space<hbm>>
      %dma_wait3A_74 = tpu.memref_squeeze %dma_wait3A_73 : memref<1x125x80xi32, #tpu.memory_space<hbm>> -> memref<125x80xi32, #tpu.memory_space<hbm>>
      tpu.wait_dma2 semaphore(%run_scoped3A : memref<!tpu.dma_semaphore, #tpu.memory_space<semaphore_mem>>) src(%dma_wait3A_74 : memref<125x80xi32, #tpu.memory_space<hbm>>) dst(%arg4 : memref<125x80xi32, #tpu.memory_space<vmem>>)
      tpu.yield
    }) : () -> ()
    %scan3A = arith.constant 0 : i32
    %scan3A_1 = arith.constant 0 : i32
    %scan3A_2 = arith.constant 80 : i32
    %scan3A_3 = arith.addi %scan3A_1, %scan3A_2 : i32
    %scan3A_4 = arith.constant 1 : i32
    scf.for %scan3A_61 = %scan3A_1 to %scan3A_3 step %scan3A_4  : i32 {
      %broadcast_in_dim3A = arith.constant 0.000000e+00 : f32
      %broadcast_in_dim3A_62 = vector.broadcast %broadcast_in_dim3A : f32 to vector<16xf32>
      %swap3A = arith.index_cast %scan3A_61 : i32 to index
      %swap3A_63 = arith.constant 0 : index
      %swap3A_64 = tpu.vector_load %arg5[%swap3A, %swap3A_63] {strides = array<i32>} : memref<80x16xf32, #tpu.memory_space<vmem>>, vector<1x16xf32>,
      %swap3A_65 = vector.shape_cast %swap3A_64 : vector<1x16xf32> to vector<16xf32>
      %swap3A_66 = vector.shape_cast %broadcast_in_dim3A_62 : vector<16xf32> to vector<1x16xf32>
      tpu.vector_store %arg5[%swap3A, %swap3A_63], %swap3A_66 {strides = array<i32>} : memref<80x16xf32, #tpu.memory_space<vmem>>, vector<1x16xf32>,
    }
    %scan3A_5 = arith.constant 80 : i32
    %mul3A_6 = arith.constant 640 : i32
    %mul3A_7 = arith.muli %arg1, %mul3A_6 : i32
    %add3A_8 = arith.constant 0 : i32
    %add3A_9 = arith.addi %mul3A_7, %add3A_8 : i32
    "tpu.region"() ({
      %run_scoped3A = tpu.sem_alloc : memref<!tpu.dma_semaphore, #tpu.memory_space<semaphore_mem>>
      %dma_start3A = arith.constant 0 : i32
      %dma_start3A_61 = tpu.memref_slice %arg7[%add3A_9, %dma_start3A] : memref<10240x16xf32, #tpu.memory_space<vmem_shared>> -> memref<80x16xf32, #tpu.memory_space<vmem_shared>>
      %dma_start3A_62 = arith.constant 0 : i32
      %dma_start3A_63 = tpu.memref_slice %arg7[%add3A_9, %dma_start3A_62] : memref<10240x16xf32, #tpu.memory_space<vmem_shared>> -> memref<80x16xf32, #tpu.memory_space<vmem_shared>>
      tpu.enqueue_dma source(%arg5 : memref<80x16xf32, #tpu.memory_space<vmem>>) target(%dma_start3A_63 : memref<80x16xf32, #tpu.memory_space<vmem_shared>>) target_semaphore(%run_scoped3A : memref<!tpu.dma_semaphore, #tpu.memory_space<semaphore_mem>>)
      %dma_wait3A = arith.constant 0 : i32
      %dma_wait3A_64 = tpu.memref_slice %arg7[%add3A_9, %dma_wait3A] : memref<10240x16xf32, #tpu.memory_space<vmem_shared>> -> memref<80x16xf32, #tpu.memory_space<vmem_shared>>
      %dma_wait3A_65 = arith.constant 0 : i32
      %dma_wait3A_66 = tpu.memref_slice %arg7[%add3A_9, %dma_wait3A_65] : memref<10240x16xf32, #tpu.memory_space<vmem_shared>> -> memref<80x16xf32, #tpu.memory_space<vmem_shared>>
      tpu.wait_dma2 semaphore(%run_scoped3A : memref<!tpu.dma_semaphore, #tpu.memory_space<semaphore_mem>>) src(%arg5 : memref<80x16xf32, #tpu.memory_space<vmem>>) dst(%dma_wait3A_66 : memref<80x16xf32, #tpu.memory_space<vmem_shared>>)
      tpu.yield
    }) : () -> ()
    %mul3A_10 = arith.constant 640 : i32
    %mul3A_11 = arith.muli %arg1, %mul3A_10 : i32
    %add3A_12 = arith.constant 80 : i32
    %add3A_13 = arith.addi %mul3A_11, %add3A_12 : i32
    "tpu.region"() ({
      %run_scoped3A = tpu.sem_alloc : memref<!tpu.dma_semaphore, #tpu.memory_space<semaphore_mem>>
      %dma_start3A = arith.constant 0 : i32
      %dma_start3A_61 = tpu.memref_slice %arg7[%add3A_13, %dma_start3A] : memref<10240x16xf32, #tpu.memory_space<vmem_shared>> -> memref<80x16xf32, #tpu.memory_space<vmem_shared>>
      %dma_start3A_62 = arith.constant 0 : i32
      %dma_start3A_63 = tpu.memref_slice %arg7[%add3A_13, %dma_start3A_62] : memref<10240x16xf32, #tpu.memory_space<vmem_shared>> -> memref<80x16xf32, #tpu.memory_space<vmem_shared>>
      tpu.enqueue_dma source(%arg5 : memref<80x16xf32, #tpu.memory_space<vmem>>) target(%dma_start3A_63 : memref<80x16xf32, #tpu.memory_space<vmem_shared>>) target_semaphore(%run_scoped3A : memref<!tpu.dma_semaphore, #tpu.memory_space<semaphore_mem>>)
      %dma_wait3A = arith.constant 0 : i32
      %dma_wait3A_64 = tpu.memref_slice %arg7[%add3A_13, %dma_wait3A] : memref<10240x16xf32, #tpu.memory_space<vmem_shared>> -> memref<80x16xf32, #tpu.memory_space<vmem_shared>>
      %dma_wait3A_65 = arith.constant 0 : i32
      %dma_wait3A_66 = tpu.memref_slice %arg7[%add3A_13, %dma_wait3A_65] : memref<10240x16xf32, #tpu.memory_space<vmem_shared>> -> memref<80x16xf32, #tpu.memory_space<vmem_shared>>
      tpu.wait_dma2 semaphore(%run_scoped3A : memref<!tpu.dma_semaphore, #tpu.memory_space<semaphore_mem>>) src(%arg5 : memref<80x16xf32, #tpu.memory_space<vmem>>) dst(%dma_wait3A_66 : memref<80x16xf32, #tpu.memory_space<vmem_shared>>)
      tpu.yield
    }) : () -> ()
    %mul3A_14 = arith.constant 640 : i32
    %mul3A_15 = arith.muli %arg1, %mul3A_14 : i32
    %add3A_16 = arith.constant 160 : i32
    %add3A_17 = arith.addi %mul3A_15, %add3A_16 : i32
    "tpu.region"() ({
      %run_scoped3A = tpu.sem_alloc : memref<!tpu.dma_semaphore, #tpu.memory_space<semaphore_mem>>
      %dma_start3A = arith.constant 0 : i32
      %dma_start3A_61 = tpu.memref_slice %arg7[%add3A_17, %dma_start3A] : memref<10240x16xf32, #tpu.memory_space<vmem_shared>> -> memref<80x16xf32, #tpu.memory_space<vmem_shared>>
      %dma_start3A_62 = arith.constant 0 : i32
      %dma_start3A_63 = tpu.memref_slice %arg7[%add3A_17, %dma_start3A_62] : memref<10240x16xf32, #tpu.memory_space<vmem_shared>> -> memref<80x16xf32, #tpu.memory_space<vmem_shared>>
      tpu.enqueue_dma source(%arg5 : memref<80x16xf32, #tpu.memory_space<vmem>>) target(%dma_start3A_63 : memref<80x16xf32, #tpu.memory_space<vmem_shared>>) target_semaphore(%run_scoped3A : memref<!tpu.dma_semaphore, #tpu.memory_space<semaphore_mem>>)
      %dma_wait3A = arith.constant 0 : i32
      %dma_wait3A_64 = tpu.memref_slice %arg7[%add3A_17, %dma_wait3A] : memref<10240x16xf32, #tpu.memory_space<vmem_shared>> -> memref<80x16xf32, #tpu.memory_space<vmem_shared>>
      %dma_wait3A_65 = arith.constant 0 : i32
      %dma_wait3A_66 = tpu.memref_slice %arg7[%add3A_17, %dma_wait3A_65] : memref<10240x16xf32, #tpu.memory_space<vmem_shared>> -> memref<80x16xf32, #tpu.memory_space<vmem_shared>>
      tpu.wait_dma2 semaphore(%run_scoped3A : memref<!tpu.dma_semaphore, #tpu.memory_space<semaphore_mem>>) src(%arg5 : memref<80x16xf32, #tpu.memory_space<vmem>>) dst(%dma_wait3A_66 : memref<80x16xf32, #tpu.memory_space<vmem_shared>>)
      tpu.yield
    }) : () -> ()
    %mul3A_18 = arith.constant 640 : i32
    %mul3A_19 = arith.muli %arg1, %mul3A_18 : i32
    %add3A_20 = arith.constant 240 : i32
    %add3A_21 = arith.addi %mul3A_19, %add3A_20 : i32
    "tpu.region"() ({
      %run_scoped3A = tpu.sem_alloc : memref<!tpu.dma_semaphore, #tpu.memory_space<semaphore_mem>>
      %dma_start3A = arith.constant 0 : i32
      %dma_start3A_61 = tpu.memref_slice %arg7[%add3A_21, %dma_start3A] : memref<10240x16xf32, #tpu.memory_space<vmem_shared>> -> memref<80x16xf32, #tpu.memory_space<vmem_shared>>
      %dma_start3A_62 = arith.constant 0 : i32
      %dma_start3A_63 = tpu.memref_slice %arg7[%add3A_21, %dma_start3A_62] : memref<10240x16xf32, #tpu.memory_space<vmem_shared>> -> memref<80x16xf32, #tpu.memory_space<vmem_shared>>
      tpu.enqueue_dma source(%arg5 : memref<80x16xf32, #tpu.memory_space<vmem>>) target(%dma_start3A_63 : memref<80x16xf32, #tpu.memory_space<vmem_shared>>) target_semaphore(%run_scoped3A : memref<!tpu.dma_semaphore, #tpu.memory_space<semaphore_mem>>)
      %dma_wait3A = arith.constant 0 : i32
      %dma_wait3A_64 = tpu.memref_slice %arg7[%add3A_21, %dma_wait3A] : memref<10240x16xf32, #tpu.memory_space<vmem_shared>> -> memref<80x16xf32, #tpu.memory_space<vmem_shared>>
      %dma_wait3A_65 = arith.constant 0 : i32
      %dma_wait3A_66 = tpu.memref_slice %arg7[%add3A_21, %dma_wait3A_65] : memref<10240x16xf32, #tpu.memory_space<vmem_shared>> -> memref<80x16xf32, #tpu.memory_space<vmem_shared>>
      tpu.wait_dma2 semaphore(%run_scoped3A : memref<!tpu.dma_semaphore, #tpu.memory_space<semaphore_mem>>) src(%arg5 : memref<80x16xf32, #tpu.memory_space<vmem>>) dst(%dma_wait3A_66 : memref<80x16xf32, #tpu.memory_space<vmem_shared>>)
      tpu.yield
    }) : () -> ()
    %mul3A_22 = arith.constant 640 : i32
    %mul3A_23 = arith.muli %arg1, %mul3A_22 : i32
    %add3A_24 = arith.constant 320 : i32
    %add3A_25 = arith.addi %mul3A_23, %add3A_24 : i32
    "tpu.region"() ({
      %run_scoped3A = tpu.sem_alloc : memref<!tpu.dma_semaphore, #tpu.memory_space<semaphore_mem>>
      %dma_start3A = arith.constant 0 : i32
      %dma_start3A_61 = tpu.memref_slice %arg7[%add3A_25, %dma_start3A] : memref<10240x16xf32, #tpu.memory_space<vmem_shared>> -> memref<80x16xf32, #tpu.memory_space<vmem_shared>>
      %dma_start3A_62 = arith.constant 0 : i32
      %dma_start3A_63 = tpu.memref_slice %arg7[%add3A_25, %dma_start3A_62] : memref<10240x16xf32, #tpu.memory_space<vmem_shared>> -> memref<80x16xf32, #tpu.memory_space<vmem_shared>>
      tpu.enqueue_dma source(%arg5 : memref<80x16xf32, #tpu.memory_space<vmem>>) target(%dma_start3A_63 : memref<80x16xf32, #tpu.memory_space<vmem_shared>>) target_semaphore(%run_scoped3A : memref<!tpu.dma_semaphore, #tpu.memory_space<semaphore_mem>>)
      %dma_wait3A = arith.constant 0 : i32
      %dma_wait3A_64 = tpu.memref_slice %arg7[%add3A_25, %dma_wait3A] : memref<10240x16xf32, #tpu.memory_space<vmem_shared>> -> memref<80x16xf32, #tpu.memory_space<vmem_shared>>
      %dma_wait3A_65 = arith.constant 0 : i32
      %dma_wait3A_66 = tpu.memref_slice %arg7[%add3A_25, %dma_wait3A_65] : memref<10240x16xf32, #tpu.memory_space<vmem_shared>> -> memref<80x16xf32, #tpu.memory_space<vmem_shared>>
      tpu.wait_dma2 semaphore(%run_scoped3A : memref<!tpu.dma_semaphore, #tpu.memory_space<semaphore_mem>>) src(%arg5 : memref<80x16xf32, #tpu.memory_space<vmem>>) dst(%dma_wait3A_66 : memref<80x16xf32, #tpu.memory_space<vmem_shared>>)
      tpu.yield
    }) : () -> ()
    %mul3A_26 = arith.constant 640 : i32
    %mul3A_27 = arith.muli %arg1, %mul3A_26 : i32
    %add3A_28 = arith.constant 400 : i32
    %add3A_29 = arith.addi %mul3A_27, %add3A_28 : i32
    "tpu.region"() ({
      %run_scoped3A = tpu.sem_alloc : memref<!tpu.dma_semaphore, #tpu.memory_space<semaphore_mem>>
      %dma_start3A = arith.constant 0 : i32
      %dma_start3A_61 = tpu.memref_slice %arg7[%add3A_29, %dma_start3A] : memref<10240x16xf32, #tpu.memory_space<vmem_shared>> -> memref<80x16xf32, #tpu.memory_space<vmem_shared>>
      %dma_start3A_62 = arith.constant 0 : i32
      %dma_start3A_63 = tpu.memref_slice %arg7[%add3A_29, %dma_start3A_62] : memref<10240x16xf32, #tpu.memory_space<vmem_shared>> -> memref<80x16xf32, #tpu.memory_space<vmem_shared>>
      tpu.enqueue_dma source(%arg5 : memref<80x16xf32, #tpu.memory_space<vmem>>) target(%dma_start3A_63 : memref<80x16xf32, #tpu.memory_space<vmem_shared>>) target_semaphore(%run_scoped3A : memref<!tpu.dma_semaphore, #tpu.memory_space<semaphore_mem>>)
      %dma_wait3A = arith.constant 0 : i32
      %dma_wait3A_64 = tpu.memref_slice %arg7[%add3A_29, %dma_wait3A] : memref<10240x16xf32, #tpu.memory_space<vmem_shared>> -> memref<80x16xf32, #tpu.memory_space<vmem_shared>>
      %dma_wait3A_65 = arith.constant 0 : i32
      %dma_wait3A_66 = tpu.memref_slice %arg7[%add3A_29, %dma_wait3A_65] : memref<10240x16xf32, #tpu.memory_space<vmem_shared>> -> memref<80x16xf32, #tpu.memory_space<vmem_shared>>
      tpu.wait_dma2 semaphore(%run_scoped3A : memref<!tpu.dma_semaphore, #tpu.memory_space<semaphore_mem>>) src(%arg5 : memref<80x16xf32, #tpu.memory_space<vmem>>) dst(%dma_wait3A_66 : memref<80x16xf32, #tpu.memory_space<vmem_shared>>)
      tpu.yield
    }) : () -> ()
    %mul3A_30 = arith.constant 640 : i32
    %mul3A_31 = arith.muli %arg1, %mul3A_30 : i32
    %add3A_32 = arith.constant 480 : i32
    %add3A_33 = arith.addi %mul3A_31, %add3A_32 : i32
    "tpu.region"() ({
      %run_scoped3A = tpu.sem_alloc : memref<!tpu.dma_semaphore, #tpu.memory_space<semaphore_mem>>
      %dma_start3A = arith.constant 0 : i32
      %dma_start3A_61 = tpu.memref_slice %arg7[%add3A_33, %dma_start3A] : memref<10240x16xf32, #tpu.memory_space<vmem_shared>> -> memref<80x16xf32, #tpu.memory_space<vmem_shared>>
      %dma_start3A_62 = arith.constant 0 : i32
      %dma_start3A_63 = tpu.memref_slice %arg7[%add3A_33, %dma_start3A_62] : memref<10240x16xf32, #tpu.memory_space<vmem_shared>> -> memref<80x16xf32, #tpu.memory_space<vmem_shared>>
      tpu.enqueue_dma source(%arg5 : memref<80x16xf32, #tpu.memory_space<vmem>>) target(%dma_start3A_63 : memref<80x16xf32, #tpu.memory_space<vmem_shared>>) target_semaphore(%run_scoped3A : memref<!tpu.dma_semaphore, #tpu.memory_space<semaphore_mem>>)
      %dma_wait3A = arith.constant 0 : i32
      %dma_wait3A_64 = tpu.memref_slice %arg7[%add3A_33, %dma_wait3A] : memref<10240x16xf32, #tpu.memory_space<vmem_shared>> -> memref<80x16xf32, #tpu.memory_space<vmem_shared>>
      %dma_wait3A_65 = arith.constant 0 : i32
      %dma_wait3A_66 = tpu.memref_slice %arg7[%add3A_33, %dma_wait3A_65] : memref<10240x16xf32, #tpu.memory_space<vmem_shared>> -> memref<80x16xf32, #tpu.memory_space<vmem_shared>>
      tpu.wait_dma2 semaphore(%run_scoped3A : memref<!tpu.dma_semaphore, #tpu.memory_space<semaphore_mem>>) src(%arg5 : memref<80x16xf32, #tpu.memory_space<vmem>>) dst(%dma_wait3A_66 : memref<80x16xf32, #tpu.memory_space<vmem_shared>>)
      tpu.yield
    }) : () -> ()
    %mul3A_34 = arith.constant 640 : i32
    %mul3A_35 = arith.muli %arg1, %mul3A_34 : i32
    %add3A_36 = arith.constant 560 : i32
    %add3A_37 = arith.addi %mul3A_35, %add3A_36 : i32
    "tpu.region"() ({
      %run_scoped3A = tpu.sem_alloc : memref<!tpu.dma_semaphore, #tpu.memory_space<semaphore_mem>>
      %dma_start3A = arith.constant 0 : i32
      %dma_start3A_61 = tpu.memref_slice %arg7[%add3A_37, %dma_start3A] : memref<10240x16xf32, #tpu.memory_space<vmem_shared>> -> memref<80x16xf32, #tpu.memory_space<vmem_shared>>
      %dma_start3A_62 = arith.constant 0 : i32
      %dma_start3A_63 = tpu.memref_slice %arg7[%add3A_37, %dma_start3A_62] : memref<10240x16xf32, #tpu.memory_space<vmem_shared>> -> memref<80x16xf32, #tpu.memory_space<vmem_shared>>
      tpu.enqueue_dma source(%arg5 : memref<80x16xf32, #tpu.memory_space<vmem>>) target(%dma_start3A_63 : memref<80x16xf32, #tpu.memory_space<vmem_shared>>) target_semaphore(%run_scoped3A : memref<!tpu.dma_semaphore, #tpu.memory_space<semaphore_mem>>)
      %dma_wait3A = arith.constant 0 : i32
      %dma_wait3A_64 = tpu.memref_slice %arg7[%add3A_37, %dma_wait3A] : memref<10240x16xf32, #tpu.memory_space<vmem_shared>> -> memref<80x16xf32, #tpu.memory_space<vmem_shared>>
      %dma_wait3A_65 = arith.constant 0 : i32
      %dma_wait3A_66 = tpu.memref_slice %arg7[%add3A_37, %dma_wait3A_65] : memref<10240x16xf32, #tpu.memory_space<vmem_shared>> -> memref<80x16xf32, #tpu.memory_space<vmem_shared>>
      tpu.wait_dma2 semaphore(%run_scoped3A : memref<!tpu.dma_semaphore, #tpu.memory_space<semaphore_mem>>) src(%arg5 : memref<80x16xf32, #tpu.memory_space<vmem>>) dst(%dma_wait3A_66 : memref<80x16xf32, #tpu.memory_space<vmem_shared>>)
      tpu.yield
    }) : () -> ()
    %scan3A_38 = arith.constant 0 : i32
    %scan3A_39 = arith.constant 0 : i32
    %scan3A_40 = arith.constant 80 : i32
    %scan3A_41 = arith.addi %scan3A_39, %scan3A_40 : i32
    %scan3A_42 = arith.constant 1 : i32
    scf.for %scan3A_61 = %scan3A_39 to %scan3A_41 step %scan3A_42  : i32 {
      %broadcast_in_dim3A = arith.constant 1.000000e+00 : f32
      %broadcast_in_dim3A_62 = vector.broadcast %broadcast_in_dim3A : f32 to vector<16xf32>
      %swap3A = arith.index_cast %scan3A_61 : i32 to index
      %swap3A_63 = arith.constant 0 : index
      %swap3A_64 = tpu.vector_load %arg5[%swap3A, %swap3A_63] {strides = array<i32>} : memref<80x16xf32, #tpu.memory_space<vmem>>, vector<1x16xf32>,
      %swap3A_65 = vector.shape_cast %swap3A_64 : vector<1x16xf32> to vector<16xf32>
      %swap3A_66 = vector.shape_cast %broadcast_in_dim3A_62 : vector<16xf32> to vector<1x16xf32>
      tpu.vector_store %arg5[%swap3A, %swap3A_63], %swap3A_66 {strides = array<i32>} : memref<80x16xf32, #tpu.memory_space<vmem>>, vector<1x16xf32>,
    }
    %scan3A_43 = arith.constant 80 : i32
    %barrier3A = arith.constant 0 : index
    tpu.barrier barrier_id(%barrier3A)
    %scan3A_44 = arith.constant 0 : i32
    %scan3A_45 = arith.constant 0 : i32
    %scan3A_46 = arith.constant 125 : i32
    %scan3A_47 = arith.addi %scan3A_45, %scan3A_46 : i32
    %scan3A_48 = arith.constant 1 : i32
    scf.for %scan3A_61 = %scan3A_45 to %scan3A_47 step %scan3A_48  : i32 {
      %dma_start3A = arith.constant 0 : i32
      %dma_start3A_62 = tpu.memref_slice %arg4[%scan3A_61, %dma_start3A] : memref<125x80xi32, #tpu.memory_space<vmem>> -> memref<1x80xi32, #tpu.memory_space<vmem>>
      %dma_start3A_63 = tpu.memref_squeeze %dma_start3A_62 : memref<1x80xi32, #tpu.memory_space<vmem>> -> memref<80xi32, #tpu.memory_space<vmem>>
      %dma_start3A_64 = arith.constant 0 : i32
      %dma_start3A_65 = arith.constant 0 : i32
      %dma_start3A_66 = tpu.memref_slice %arg7[%dma_start3A_64, %dma_start3A_65] : memref<10240x16xf32, #tpu.memory_space<vmem_shared>> -> memref<10240x16xf32, #tpu.memory_space<vmem_shared>>
      tpu.enqueue_indirect_dma source(%arg5 : memref<80x16xf32, #tpu.memory_space<vmem>>) target(%dma_start3A_66 : memref<10240x16xf32, #tpu.memory_space<vmem_shared>>) offsets(%dma_start3A_63 : memref<80xi32, #tpu.memory_space<vmem>>) semaphore(%arg6 : memref<!tpu.dma_semaphore, #tpu.memory_space<semaphore_mem>>) {add = true}
    }
    %scan3A_49 = arith.constant 125 : i32
    %scan3A_50 = arith.constant 0 : i32
    %scan3A_51 = arith.constant 0 : i32
    %scan3A_52 = arith.constant 125 : i32
    %scan3A_53 = arith.addi %scan3A_51, %scan3A_52 : i32
    %scan3A_54 = arith.constant 1 : i32
    scf.for %scan3A_61 = %scan3A_51 to %scan3A_53 step %scan3A_54  : i32 {
      %dma_wait3A = arith.constant 0 : i32
      %dma_wait3A_62 = tpu.memref_slice %arg4[%scan3A_61, %dma_wait3A] : memref<125x80xi32, #tpu.memory_space<vmem>> -> memref<1x80xi32, #tpu.memory_space<vmem>>
      %dma_wait3A_63 = tpu.memref_squeeze %dma_wait3A_62 : memref<1x80xi32, #tpu.memory_space<vmem>> -> memref<80xi32, #tpu.memory_space<vmem>>
      %dma_wait3A_64 = arith.constant 0 : i32
      %dma_wait3A_65 = arith.constant 0 : i32
      %dma_wait3A_66 = tpu.memref_slice %arg7[%dma_wait3A_64, %dma_wait3A_65] : memref<10240x16xf32, #tpu.memory_space<vmem_shared>> -> memref<10240x16xf32, #tpu.memory_space<vmem_shared>>
      tpu.wait_indirect_dma semaphore(%arg6 : memref<!tpu.dma_semaphore, #tpu.memory_space<semaphore_mem>>) src(%arg5 : memref<80x16xf32, #tpu.memory_space<vmem>>) dst(%dma_wait3A_66 : memref<10240x16xf32, #tpu.memory_space<vmem_shared>>)
    }
    %scan3A_55 = arith.constant 125 : i32
    %barrier3A_56 = arith.constant 0 : index
    tpu.barrier barrier_id(%barrier3A_56)
    %mul3A_57 = arith.constant 640 : i32
    %mul3A_58 = arith.muli %arg1, %mul3A_57 : i32
    %mul3A_59 = arith.constant 640 : i32
    %mul3A_60 = arith.muli %arg1, %mul3A_59 : i32
    "tpu.region"() ({
      %run_scoped3A = tpu.sem_alloc : memref<!tpu.dma_semaphore, #tpu.memory_space<semaphore_mem>>
      %dma_start3A = arith.constant 0 : i32
      %dma_start3A_61 = tpu.memref_slice %arg3[%arg0, %mul3A_60, %dma_start3A] : memref<2x10240x16xf32, #tpu.memory_space<hbm>> -> memref<1x640x16xf32, #tpu.memory_space<hbm>>
      %dma_start3A_62 = tpu.memref_squeeze %dma_start3A_61 : memref<1x640x16xf32, #tpu.memory_space<hbm>> -> memref<640x16xf32, #tpu.memory_space<hbm>>
      %dma_start3A_63 = arith.constant 0 : i32
      %dma_start3A_64 = tpu.memref_slice %arg7[%mul3A_58, %dma_start3A_63] : memref<10240x16xf32, #tpu.memory_space<vmem_shared>> -> memref<640x16xf32, #tpu.memory_space<vmem_shared>>
      tpu.enqueue_dma source(%dma_start3A_64 : memref<640x16xf32, #tpu.memory_space<vmem_shared>>) target(%dma_start3A_62 : memref<640x16xf32, #tpu.memory_space<hbm>>) target_semaphore(%run_scoped3A : memref<!tpu.dma_semaphore, #tpu.memory_space<semaphore_mem>>)
      %dma_wait3A = arith.constant 0 : i32
      %dma_wait3A_65 = tpu.memref_slice %arg3[%arg0, %mul3A_60, %dma_wait3A] : memref<2x10240x16xf32, #tpu.memory_space<hbm>> -> memref<1x640x16xf32, #tpu.memory_space<hbm>>
      %dma_wait3A_66 = tpu.memref_squeeze %dma_wait3A_65 : memref<1x640x16xf32, #tpu.memory_space<hbm>> -> memref<640x16xf32, #tpu.memory_space<hbm>>
      %dma_wait3A_67 = arith.constant 0 : i32
      %dma_wait3A_68 = tpu.memref_slice %arg7[%mul3A_58, %dma_wait3A_67] : memref<10240x16xf32, #tpu.memory_space<vmem_shared>> -> memref<640x16xf32, #tpu.memory_space<vmem_shared>>
      tpu.wait_dma2 semaphore(%run_scoped3A : memref<!tpu.dma_semaphore, #tpu.memory_space<semaphore_mem>>) src(%dma_wait3A_68 : memref<640x16xf32, #tpu.memory_space<vmem_shared>>) dst(%dma_wait3A_66 : memref<640x16xf32, #tpu.memory_space<hbm>>)
      tpu.yield
    }) : () -> ()
    return
  }
}

#map = affine_map<(d0, d1) -> (0, 0)>
#map1 = affine_map<(d0, d1) -> (0, 0, 0)>
module attributes {stable_mosaic.version = 14 : i64} {
  func.func @edge_pass(%arg0: i32, %arg1: i32, %arg2: memref<10000x16xf32, #tpu.memory_space<hbm>>, %arg3: memref<32x125x80xi32, #tpu.memory_space<hbm>>, %arg4: memref<32x125x80xi32, #tpu.memory_space<hbm>>, %arg5: memref<2x10240x16xf32, #tpu.memory_space<hbm>>, %arg6: memref<125x80xi32, #tpu.memory_space<vmem>>, %arg7: memref<125x80xi32, #tpu.memory_space<vmem>>, %arg8: memref<80x16xf32, #tpu.memory_space<vmem>>, %arg9: memref<80x16xf32, #tpu.memory_space<vmem>>, %arg10: memref<!tpu.dma_semaphore, #tpu.memory_space<semaphore_mem>>, %arg11: memref<!tpu.dma_semaphore, #tpu.memory_space<semaphore_mem>>, %arg12: memref<10240x16xf32, #tpu.memory_space<vmem_shared>>) attributes {dimension_semantics = [#tpu.dimension_semantics<core_parallel>, #tpu.dimension_semantics<subcore_parallel>], iteration_bounds = array<i64: 2, 16>, scalar_prefetch = 0 : i64, scratch_operands = 7 : i64, tpu.core_type = #tpu.core_type<sc_vector_subcore>, window_params = [{transform_indices = #map}, {transform_indices = #map1}, {transform_indices = #map1}, {transform_indices = #map1}]} {
    %mul3A = arith.constant 2 : i32
    %mul3A_0 = arith.muli %arg1, %mul3A : i32
    %add3A = arith.addi %mul3A_0, %arg0 : i32
    "tpu.region"() ({
      %run_scoped3A_61 = tpu.sem_alloc : memref<!tpu.dma_semaphore, #tpu.memory_space<semaphore_mem>>
      %dma_start3A_62 = arith.constant 0 : i32
      %dma_start3A_63 = arith.constant 0 : i32
      %dma_start3A_64 = tpu.memref_slice %arg3[%add3A, %dma_start3A_62, %dma_start3A_63] : memref<32x125x80xi32, #tpu.memory_space<hbm>> -> memref<1x125x80xi32, #tpu.memory_space<hbm>>
      %dma_start3A_65 = tpu.memref_squeeze %dma_start3A_64 : memref<1x125x80xi32, #tpu.memory_space<hbm>> -> memref<125x80xi32, #tpu.memory_space<hbm>>
      %dma_start3A_66 = arith.constant 0 : i32
      %dma_start3A_67 = arith.constant 0 : i32
      %dma_start3A_68 = tpu.memref_slice %arg3[%add3A, %dma_start3A_66, %dma_start3A_67] : memref<32x125x80xi32, #tpu.memory_space<hbm>> -> memref<1x125x80xi32, #tpu.memory_space<hbm>>
      %dma_start3A_69 = tpu.memref_squeeze %dma_start3A_68 : memref<1x125x80xi32, #tpu.memory_space<hbm>> -> memref<125x80xi32, #tpu.memory_space<hbm>>
      tpu.enqueue_dma source(%dma_start3A_69 : memref<125x80xi32, #tpu.memory_space<hbm>>) target(%arg6 : memref<125x80xi32, #tpu.memory_space<vmem>>) target_semaphore(%run_scoped3A_61 : memref<!tpu.dma_semaphore, #tpu.memory_space<semaphore_mem>>)
      %dma_wait3A_70 = arith.constant 0 : i32
      %dma_wait3A_71 = arith.constant 0 : i32
      %dma_wait3A_72 = tpu.memref_slice %arg3[%add3A, %dma_wait3A_70, %dma_wait3A_71] : memref<32x125x80xi32, #tpu.memory_space<hbm>> -> memref<1x125x80xi32, #tpu.memory_space<hbm>>
      %dma_wait3A_73 = tpu.memref_squeeze %dma_wait3A_72 : memref<1x125x80xi32, #tpu.memory_space<hbm>> -> memref<125x80xi32, #tpu.memory_space<hbm>>
      %dma_wait3A_74 = arith.constant 0 : i32
      %dma_wait3A_75 = arith.constant 0 : i32
      %dma_wait3A_76 = tpu.memref_slice %arg3[%add3A, %dma_wait3A_74, %dma_wait3A_75] : memref<32x125x80xi32, #tpu.memory_space<hbm>> -> memref<1x125x80xi32, #tpu.memory_space<hbm>>
      %dma_wait3A_77 = tpu.memref_squeeze %dma_wait3A_76 : memref<1x125x80xi32, #tpu.memory_space<hbm>> -> memref<125x80xi32, #tpu.memory_space<hbm>>
      tpu.wait_dma2 semaphore(%run_scoped3A_61 : memref<!tpu.dma_semaphore, #tpu.memory_space<semaphore_mem>>) src(%dma_wait3A_77 : memref<125x80xi32, #tpu.memory_space<hbm>>) dst(%arg6 : memref<125x80xi32, #tpu.memory_space<vmem>>)
      tpu.yield
    }) : () -> ()
    "tpu.region"() ({
      %run_scoped3A_61 = tpu.sem_alloc : memref<!tpu.dma_semaphore, #tpu.memory_space<semaphore_mem>>
      %dma_start3A_62 = arith.constant 0 : i32
      %dma_start3A_63 = arith.constant 0 : i32
      %dma_start3A_64 = tpu.memref_slice %arg4[%add3A, %dma_start3A_62, %dma_start3A_63] : memref<32x125x80xi32, #tpu.memory_space<hbm>> -> memref<1x125x80xi32, #tpu.memory_space<hbm>>
      %dma_start3A_65 = tpu.memref_squeeze %dma_start3A_64 : memref<1x125x80xi32, #tpu.memory_space<hbm>> -> memref<125x80xi32, #tpu.memory_space<hbm>>
      %dma_start3A_66 = arith.constant 0 : i32
      %dma_start3A_67 = arith.constant 0 : i32
      %dma_start3A_68 = tpu.memref_slice %arg4[%add3A, %dma_start3A_66, %dma_start3A_67] : memref<32x125x80xi32, #tpu.memory_space<hbm>> -> memref<1x125x80xi32, #tpu.memory_space<hbm>>
      %dma_start3A_69 = tpu.memref_squeeze %dma_start3A_68 : memref<1x125x80xi32, #tpu.memory_space<hbm>> -> memref<125x80xi32, #tpu.memory_space<hbm>>
      tpu.enqueue_dma source(%dma_start3A_69 : memref<125x80xi32, #tpu.memory_space<hbm>>) target(%arg7 : memref<125x80xi32, #tpu.memory_space<vmem>>) target_semaphore(%run_scoped3A_61 : memref<!tpu.dma_semaphore, #tpu.memory_space<semaphore_mem>>)
      %dma_wait3A_70 = arith.constant 0 : i32
      %dma_wait3A_71 = arith.constant 0 : i32
      %dma_wait3A_72 = tpu.memref_slice %arg4[%add3A, %dma_wait3A_70, %dma_wait3A_71] : memref<32x125x80xi32, #tpu.memory_space<hbm>> -> memref<1x125x80xi32, #tpu.memory_space<hbm>>
      %dma_wait3A_73 = tpu.memref_squeeze %dma_wait3A_72 : memref<1x125x80xi32, #tpu.memory_space<hbm>> -> memref<125x80xi32, #tpu.memory_space<hbm>>
      %dma_wait3A_74 = arith.constant 0 : i32
      %dma_wait3A_75 = arith.constant 0 : i32
      %dma_wait3A_76 = tpu.memref_slice %arg4[%add3A, %dma_wait3A_74, %dma_wait3A_75] : memref<32x125x80xi32, #tpu.memory_space<hbm>> -> memref<1x125x80xi32, #tpu.memory_space<hbm>>
      %dma_wait3A_77 = tpu.memref_squeeze %dma_wait3A_76 : memref<1x125x80xi32, #tpu.memory_space<hbm>> -> memref<125x80xi32, #tpu.memory_space<hbm>>
      tpu.wait_dma2 semaphore(%run_scoped3A_61 : memref<!tpu.dma_semaphore, #tpu.memory_space<semaphore_mem>>) src(%dma_wait3A_77 : memref<125x80xi32, #tpu.memory_space<hbm>>) dst(%arg7 : memref<125x80xi32, #tpu.memory_space<vmem>>)
      tpu.yield
    }) : () -> ()
    %scan3A = arith.constant 0 : i32
    %scan3A_1 = arith.constant 0 : i32
    %scan3A_2 = arith.constant 80 : i32
    %scan3A_3 = arith.addi %scan3A_1, %scan3A_2 : i32
    %scan3A_4 = arith.constant 1 : i32
    scf.for %scan3A_61 = %scan3A_1 to %scan3A_3 step %scan3A_4  : i32 {
      %broadcast_in_dim3A = arith.constant 0.000000e+00 : f32
      %broadcast_in_dim3A_62 = vector.broadcast %broadcast_in_dim3A : f32 to vector<16xf32>
      %swap3A = arith.index_cast %scan3A_61 : i32 to index
      %swap3A_63 = arith.constant 0 : index
      %swap3A_64 = tpu.vector_load %arg8[%swap3A, %swap3A_63] {strides = array<i32>} : memref<80x16xf32, #tpu.memory_space<vmem>>, vector<1x16xf32>,
      %swap3A_65 = vector.shape_cast %swap3A_64 : vector<1x16xf32> to vector<16xf32>
      %swap3A_66 = vector.shape_cast %broadcast_in_dim3A_62 : vector<16xf32> to vector<1x16xf32>
      tpu.vector_store %arg8[%swap3A, %swap3A_63], %swap3A_66 {strides = array<i32>} : memref<80x16xf32, #tpu.memory_space<vmem>>, vector<1x16xf32>,
    }
    %scan3A_5 = arith.constant 80 : i32
    %mul3A_6 = arith.constant 640 : i32
    %mul3A_7 = arith.muli %arg1, %mul3A_6 : i32
    %add3A_8 = arith.constant 0 : i32
    %add3A_9 = arith.addi %mul3A_7, %add3A_8 : i32
    "tpu.region"() ({
      %run_scoped3A_61 = tpu.sem_alloc : memref<!tpu.dma_semaphore, #tpu.memory_space<semaphore_mem>>
      %dma_start3A_62 = arith.constant 0 : i32
      %dma_start3A_63 = tpu.memref_slice %arg12[%add3A_9, %dma_start3A_62] : memref<10240x16xf32, #tpu.memory_space<vmem_shared>> -> memref<80x16xf32, #tpu.memory_space<vmem_shared>>
      %dma_start3A_64 = arith.constant 0 : i32
      %dma_start3A_65 = tpu.memref_slice %arg12[%add3A_9, %dma_start3A_64] : memref<10240x16xf32, #tpu.memory_space<vmem_shared>> -> memref<80x16xf32, #tpu.memory_space<vmem_shared>>
      tpu.enqueue_dma source(%arg8 : memref<80x16xf32, #tpu.memory_space<vmem>>) target(%dma_start3A_65 : memref<80x16xf32, #tpu.memory_space<vmem_shared>>) target_semaphore(%run_scoped3A_61 : memref<!tpu.dma_semaphore, #tpu.memory_space<semaphore_mem>>)
      %dma_wait3A_66 = arith.constant 0 : i32
      %dma_wait3A_67 = tpu.memref_slice %arg12[%add3A_9, %dma_wait3A_66] : memref<10240x16xf32, #tpu.memory_space<vmem_shared>> -> memref<80x16xf32, #tpu.memory_space<vmem_shared>>
      %dma_wait3A_68 = arith.constant 0 : i32
      %dma_wait3A_69 = tpu.memref_slice %arg12[%add3A_9, %dma_wait3A_68] : memref<10240x16xf32, #tpu.memory_space<vmem_shared>> -> memref<80x16xf32, #tpu.memory_space<vmem_shared>>
      tpu.wait_dma2 semaphore(%run_scoped3A_61 : memref<!tpu.dma_semaphore, #tpu.memory_space<semaphore_mem>>) src(%arg8 : memref<80x16xf32, #tpu.memory_space<vmem>>) dst(%dma_wait3A_69 : memref<80x16xf32, #tpu.memory_space<vmem_shared>>)
      tpu.yield
    }) : () -> ()
    %mul3A_10 = arith.constant 640 : i32
    %mul3A_11 = arith.muli %arg1, %mul3A_10 : i32
    %add3A_12 = arith.constant 80 : i32
    %add3A_13 = arith.addi %mul3A_11, %add3A_12 : i32
    "tpu.region"() ({
      %run_scoped3A_61 = tpu.sem_alloc : memref<!tpu.dma_semaphore, #tpu.memory_space<semaphore_mem>>
      %dma_start3A_62 = arith.constant 0 : i32
      %dma_start3A_63 = tpu.memref_slice %arg12[%add3A_13, %dma_start3A_62] : memref<10240x16xf32, #tpu.memory_space<vmem_shared>> -> memref<80x16xf32, #tpu.memory_space<vmem_shared>>
      %dma_start3A_64 = arith.constant 0 : i32
      %dma_start3A_65 = tpu.memref_slice %arg12[%add3A_13, %dma_start3A_64] : memref<10240x16xf32, #tpu.memory_space<vmem_shared>> -> memref<80x16xf32, #tpu.memory_space<vmem_shared>>
      tpu.enqueue_dma source(%arg8 : memref<80x16xf32, #tpu.memory_space<vmem>>) target(%dma_start3A_65 : memref<80x16xf32, #tpu.memory_space<vmem_shared>>) target_semaphore(%run_scoped3A_61 : memref<!tpu.dma_semaphore, #tpu.memory_space<semaphore_mem>>)
      %dma_wait3A_66 = arith.constant 0 : i32
      %dma_wait3A_67 = tpu.memref_slice %arg12[%add3A_13, %dma_wait3A_66] : memref<10240x16xf32, #tpu.memory_space<vmem_shared>> -> memref<80x16xf32, #tpu.memory_space<vmem_shared>>
      %dma_wait3A_68 = arith.constant 0 : i32
      %dma_wait3A_69 = tpu.memref_slice %arg12[%add3A_13, %dma_wait3A_68] : memref<10240x16xf32, #tpu.memory_space<vmem_shared>> -> memref<80x16xf32, #tpu.memory_space<vmem_shared>>
      tpu.wait_dma2 semaphore(%run_scoped3A_61 : memref<!tpu.dma_semaphore, #tpu.memory_space<semaphore_mem>>) src(%arg8 : memref<80x16xf32, #tpu.memory_space<vmem>>) dst(%dma_wait3A_69 : memref<80x16xf32, #tpu.memory_space<vmem_shared>>)
      tpu.yield
    }) : () -> ()
    %mul3A_14 = arith.constant 640 : i32
    %mul3A_15 = arith.muli %arg1, %mul3A_14 : i32
    %add3A_16 = arith.constant 160 : i32
    %add3A_17 = arith.addi %mul3A_15, %add3A_16 : i32
    "tpu.region"() ({
      %run_scoped3A_61 = tpu.sem_alloc : memref<!tpu.dma_semaphore, #tpu.memory_space<semaphore_mem>>
      %dma_start3A_62 = arith.constant 0 : i32
      %dma_start3A_63 = tpu.memref_slice %arg12[%add3A_17, %dma_start3A_62] : memref<10240x16xf32, #tpu.memory_space<vmem_shared>> -> memref<80x16xf32, #tpu.memory_space<vmem_shared>>
      %dma_start3A_64 = arith.constant 0 : i32
      %dma_start3A_65 = tpu.memref_slice %arg12[%add3A_17, %dma_start3A_64] : memref<10240x16xf32, #tpu.memory_space<vmem_shared>> -> memref<80x16xf32, #tpu.memory_space<vmem_shared>>
      tpu.enqueue_dma source(%arg8 : memref<80x16xf32, #tpu.memory_space<vmem>>) target(%dma_start3A_65 : memref<80x16xf32, #tpu.memory_space<vmem_shared>>) target_semaphore(%run_scoped3A_61 : memref<!tpu.dma_semaphore, #tpu.memory_space<semaphore_mem>>)
      %dma_wait3A_66 = arith.constant 0 : i32
      %dma_wait3A_67 = tpu.memref_slice %arg12[%add3A_17, %dma_wait3A_66] : memref<10240x16xf32, #tpu.memory_space<vmem_shared>> -> memref<80x16xf32, #tpu.memory_space<vmem_shared>>
      %dma_wait3A_68 = arith.constant 0 : i32
      %dma_wait3A_69 = tpu.memref_slice %arg12[%add3A_17, %dma_wait3A_68] : memref<10240x16xf32, #tpu.memory_space<vmem_shared>> -> memref<80x16xf32, #tpu.memory_space<vmem_shared>>
      tpu.wait_dma2 semaphore(%run_scoped3A_61 : memref<!tpu.dma_semaphore, #tpu.memory_space<semaphore_mem>>) src(%arg8 : memref<80x16xf32, #tpu.memory_space<vmem>>) dst(%dma_wait3A_69 : memref<80x16xf32, #tpu.memory_space<vmem_shared>>)
      tpu.yield
    }) : () -> ()
    %mul3A_18 = arith.constant 640 : i32
    %mul3A_19 = arith.muli %arg1, %mul3A_18 : i32
    %add3A_20 = arith.constant 240 : i32
    %add3A_21 = arith.addi %mul3A_19, %add3A_20 : i32
    "tpu.region"() ({
      %run_scoped3A_61 = tpu.sem_alloc : memref<!tpu.dma_semaphore, #tpu.memory_space<semaphore_mem>>
      %dma_start3A_62 = arith.constant 0 : i32
      %dma_start3A_63 = tpu.memref_slice %arg12[%add3A_21, %dma_start3A_62] : memref<10240x16xf32, #tpu.memory_space<vmem_shared>> -> memref<80x16xf32, #tpu.memory_space<vmem_shared>>
      %dma_start3A_64 = arith.constant 0 : i32
      %dma_start3A_65 = tpu.memref_slice %arg12[%add3A_21, %dma_start3A_64] : memref<10240x16xf32, #tpu.memory_space<vmem_shared>> -> memref<80x16xf32, #tpu.memory_space<vmem_shared>>
      tpu.enqueue_dma source(%arg8 : memref<80x16xf32, #tpu.memory_space<vmem>>) target(%dma_start3A_65 : memref<80x16xf32, #tpu.memory_space<vmem_shared>>) target_semaphore(%run_scoped3A_61 : memref<!tpu.dma_semaphore, #tpu.memory_space<semaphore_mem>>)
      %dma_wait3A_66 = arith.constant 0 : i32
      %dma_wait3A_67 = tpu.memref_slice %arg12[%add3A_21, %dma_wait3A_66] : memref<10240x16xf32, #tpu.memory_space<vmem_shared>> -> memref<80x16xf32, #tpu.memory_space<vmem_shared>>
      %dma_wait3A_68 = arith.constant 0 : i32
      %dma_wait3A_69 = tpu.memref_slice %arg12[%add3A_21, %dma_wait3A_68] : memref<10240x16xf32, #tpu.memory_space<vmem_shared>> -> memref<80x16xf32, #tpu.memory_space<vmem_shared>>
      tpu.wait_dma2 semaphore(%run_scoped3A_61 : memref<!tpu.dma_semaphore, #tpu.memory_space<semaphore_mem>>) src(%arg8 : memref<80x16xf32, #tpu.memory_space<vmem>>) dst(%dma_wait3A_69 : memref<80x16xf32, #tpu.memory_space<vmem_shared>>)
      tpu.yield
    }) : () -> ()
    %mul3A_22 = arith.constant 640 : i32
    %mul3A_23 = arith.muli %arg1, %mul3A_22 : i32
    %add3A_24 = arith.constant 320 : i32
    %add3A_25 = arith.addi %mul3A_23, %add3A_24 : i32
    "tpu.region"() ({
      %run_scoped3A_61 = tpu.sem_alloc : memref<!tpu.dma_semaphore, #tpu.memory_space<semaphore_mem>>
      %dma_start3A_62 = arith.constant 0 : i32
      %dma_start3A_63 = tpu.memref_slice %arg12[%add3A_25, %dma_start3A_62] : memref<10240x16xf32, #tpu.memory_space<vmem_shared>> -> memref<80x16xf32, #tpu.memory_space<vmem_shared>>
      %dma_start3A_64 = arith.constant 0 : i32
      %dma_start3A_65 = tpu.memref_slice %arg12[%add3A_25, %dma_start3A_64] : memref<10240x16xf32, #tpu.memory_space<vmem_shared>> -> memref<80x16xf32, #tpu.memory_space<vmem_shared>>
      tpu.enqueue_dma source(%arg8 : memref<80x16xf32, #tpu.memory_space<vmem>>) target(%dma_start3A_65 : memref<80x16xf32, #tpu.memory_space<vmem_shared>>) target_semaphore(%run_scoped3A_61 : memref<!tpu.dma_semaphore, #tpu.memory_space<semaphore_mem>>)
      %dma_wait3A_66 = arith.constant 0 : i32
      %dma_wait3A_67 = tpu.memref_slice %arg12[%add3A_25, %dma_wait3A_66] : memref<10240x16xf32, #tpu.memory_space<vmem_shared>> -> memref<80x16xf32, #tpu.memory_space<vmem_shared>>
      %dma_wait3A_68 = arith.constant 0 : i32
      %dma_wait3A_69 = tpu.memref_slice %arg12[%add3A_25, %dma_wait3A_68] : memref<10240x16xf32, #tpu.memory_space<vmem_shared>> -> memref<80x16xf32, #tpu.memory_space<vmem_shared>>
      tpu.wait_dma2 semaphore(%run_scoped3A_61 : memref<!tpu.dma_semaphore, #tpu.memory_space<semaphore_mem>>) src(%arg8 : memref<80x16xf32, #tpu.memory_space<vmem>>) dst(%dma_wait3A_69 : memref<80x16xf32, #tpu.memory_space<vmem_shared>>)
      tpu.yield
    }) : () -> ()
    %mul3A_26 = arith.constant 640 : i32
    %mul3A_27 = arith.muli %arg1, %mul3A_26 : i32
    %add3A_28 = arith.constant 400 : i32
    %add3A_29 = arith.addi %mul3A_27, %add3A_28 : i32
    "tpu.region"() ({
      %run_scoped3A_61 = tpu.sem_alloc : memref<!tpu.dma_semaphore, #tpu.memory_space<semaphore_mem>>
      %dma_start3A_62 = arith.constant 0 : i32
      %dma_start3A_63 = tpu.memref_slice %arg12[%add3A_29, %dma_start3A_62] : memref<10240x16xf32, #tpu.memory_space<vmem_shared>> -> memref<80x16xf32, #tpu.memory_space<vmem_shared>>
      %dma_start3A_64 = arith.constant 0 : i32
      %dma_start3A_65 = tpu.memref_slice %arg12[%add3A_29, %dma_start3A_64] : memref<10240x16xf32, #tpu.memory_space<vmem_shared>> -> memref<80x16xf32, #tpu.memory_space<vmem_shared>>
      tpu.enqueue_dma source(%arg8 : memref<80x16xf32, #tpu.memory_space<vmem>>) target(%dma_start3A_65 : memref<80x16xf32, #tpu.memory_space<vmem_shared>>) target_semaphore(%run_scoped3A_61 : memref<!tpu.dma_semaphore, #tpu.memory_space<semaphore_mem>>)
      %dma_wait3A_66 = arith.constant 0 : i32
      %dma_wait3A_67 = tpu.memref_slice %arg12[%add3A_29, %dma_wait3A_66] : memref<10240x16xf32, #tpu.memory_space<vmem_shared>> -> memref<80x16xf32, #tpu.memory_space<vmem_shared>>
      %dma_wait3A_68 = arith.constant 0 : i32
      %dma_wait3A_69 = tpu.memref_slice %arg12[%add3A_29, %dma_wait3A_68] : memref<10240x16xf32, #tpu.memory_space<vmem_shared>> -> memref<80x16xf32, #tpu.memory_space<vmem_shared>>
      tpu.wait_dma2 semaphore(%run_scoped3A_61 : memref<!tpu.dma_semaphore, #tpu.memory_space<semaphore_mem>>) src(%arg8 : memref<80x16xf32, #tpu.memory_space<vmem>>) dst(%dma_wait3A_69 : memref<80x16xf32, #tpu.memory_space<vmem_shared>>)
      tpu.yield
    }) : () -> ()
    %mul3A_30 = arith.constant 640 : i32
    %mul3A_31 = arith.muli %arg1, %mul3A_30 : i32
    %add3A_32 = arith.constant 480 : i32
    %add3A_33 = arith.addi %mul3A_31, %add3A_32 : i32
    "tpu.region"() ({
      %run_scoped3A_61 = tpu.sem_alloc : memref<!tpu.dma_semaphore, #tpu.memory_space<semaphore_mem>>
      %dma_start3A_62 = arith.constant 0 : i32
      %dma_start3A_63 = tpu.memref_slice %arg12[%add3A_33, %dma_start3A_62] : memref<10240x16xf32, #tpu.memory_space<vmem_shared>> -> memref<80x16xf32, #tpu.memory_space<vmem_shared>>
      %dma_start3A_64 = arith.constant 0 : i32
      %dma_start3A_65 = tpu.memref_slice %arg12[%add3A_33, %dma_start3A_64] : memref<10240x16xf32, #tpu.memory_space<vmem_shared>> -> memref<80x16xf32, #tpu.memory_space<vmem_shared>>
      tpu.enqueue_dma source(%arg8 : memref<80x16xf32, #tpu.memory_space<vmem>>) target(%dma_start3A_65 : memref<80x16xf32, #tpu.memory_space<vmem_shared>>) target_semaphore(%run_scoped3A_61 : memref<!tpu.dma_semaphore, #tpu.memory_space<semaphore_mem>>)
      %dma_wait3A_66 = arith.constant 0 : i32
      %dma_wait3A_67 = tpu.memref_slice %arg12[%add3A_33, %dma_wait3A_66] : memref<10240x16xf32, #tpu.memory_space<vmem_shared>> -> memref<80x16xf32, #tpu.memory_space<vmem_shared>>
      %dma_wait3A_68 = arith.constant 0 : i32
      %dma_wait3A_69 = tpu.memref_slice %arg12[%add3A_33, %dma_wait3A_68] : memref<10240x16xf32, #tpu.memory_space<vmem_shared>> -> memref<80x16xf32, #tpu.memory_space<vmem_shared>>
      tpu.wait_dma2 semaphore(%run_scoped3A_61 : memref<!tpu.dma_semaphore, #tpu.memory_space<semaphore_mem>>) src(%arg8 : memref<80x16xf32, #tpu.memory_space<vmem>>) dst(%dma_wait3A_69 : memref<80x16xf32, #tpu.memory_space<vmem_shared>>)
      tpu.yield
    }) : () -> ()
    %mul3A_34 = arith.constant 640 : i32
    %mul3A_35 = arith.muli %arg1, %mul3A_34 : i32
    %add3A_36 = arith.constant 560 : i32
    %add3A_37 = arith.addi %mul3A_35, %add3A_36 : i32
    "tpu.region"() ({
      %run_scoped3A_61 = tpu.sem_alloc : memref<!tpu.dma_semaphore, #tpu.memory_space<semaphore_mem>>
      %dma_start3A_62 = arith.constant 0 : i32
      %dma_start3A_63 = tpu.memref_slice %arg12[%add3A_37, %dma_start3A_62] : memref<10240x16xf32, #tpu.memory_space<vmem_shared>> -> memref<80x16xf32, #tpu.memory_space<vmem_shared>>
      %dma_start3A_64 = arith.constant 0 : i32
      %dma_start3A_65 = tpu.memref_slice %arg12[%add3A_37, %dma_start3A_64] : memref<10240x16xf32, #tpu.memory_space<vmem_shared>> -> memref<80x16xf32, #tpu.memory_space<vmem_shared>>
      tpu.enqueue_dma source(%arg8 : memref<80x16xf32, #tpu.memory_space<vmem>>) target(%dma_start3A_65 : memref<80x16xf32, #tpu.memory_space<vmem_shared>>) target_semaphore(%run_scoped3A_61 : memref<!tpu.dma_semaphore, #tpu.memory_space<semaphore_mem>>)
      %dma_wait3A_66 = arith.constant 0 : i32
      %dma_wait3A_67 = tpu.memref_slice %arg12[%add3A_37, %dma_wait3A_66] : memref<10240x16xf32, #tpu.memory_space<vmem_shared>> -> memref<80x16xf32, #tpu.memory_space<vmem_shared>>
      %dma_wait3A_68 = arith.constant 0 : i32
      %dma_wait3A_69 = tpu.memref_slice %arg12[%add3A_37, %dma_wait3A_68] : memref<10240x16xf32, #tpu.memory_space<vmem_shared>> -> memref<80x16xf32, #tpu.memory_space<vmem_shared>>
      tpu.wait_dma2 semaphore(%run_scoped3A_61 : memref<!tpu.dma_semaphore, #tpu.memory_space<semaphore_mem>>) src(%arg8 : memref<80x16xf32, #tpu.memory_space<vmem>>) dst(%dma_wait3A_69 : memref<80x16xf32, #tpu.memory_space<vmem_shared>>)
      tpu.yield
    }) : () -> ()
    %barrier3A = arith.constant 0 : index
    tpu.barrier barrier_id(%barrier3A)
    %dma_start3A = arith.constant 0 : i32
    %dma_start3A_38 = arith.constant 0 : i32
    %dma_start3A_39 = tpu.memref_slice %arg6[%dma_start3A, %dma_start3A_38] : memref<125x80xi32, #tpu.memory_space<vmem>> -> memref<1x80xi32, #tpu.memory_space<vmem>>
    %dma_start3A_40 = tpu.memref_squeeze %dma_start3A_39 : memref<1x80xi32, #tpu.memory_space<vmem>> -> memref<80xi32, #tpu.memory_space<vmem>>
    %dma_start3A_41 = arith.constant 0 : i32
    %dma_start3A_42 = arith.constant 0 : i32
    %dma_start3A_43 = tpu.memref_slice %arg2[%dma_start3A_41, %dma_start3A_42] : memref<10000x16xf32, #tpu.memory_space<hbm>> -> memref<10000x16xf32, #tpu.memory_space<hbm>>
    tpu.enqueue_indirect_dma source(%dma_start3A_43 : memref<10000x16xf32, #tpu.memory_space<hbm>>) target(%arg8 : memref<80x16xf32, #tpu.memory_space<vmem>>) offsets(%dma_start3A_40 : memref<80xi32, #tpu.memory_space<vmem>>) semaphore(%arg10 : memref<!tpu.dma_semaphore, #tpu.memory_space<semaphore_mem>>)
    %scan3A_44 = arith.constant 0 : i32
    %scan3A_45 = arith.constant 0 : i32
    %scan3A_46 = arith.constant 62 : i32
    %scan3A_47 = arith.addi %scan3A_45, %scan3A_46 : i32
    %scan3A_48 = arith.constant 1 : i32
    scf.for %scan3A_61 = %scan3A_45 to %scan3A_47 step %scan3A_48  : i32 {
      %mul3A_62 = arith.constant 2 : i32
      %mul3A_63 = arith.muli %mul3A_62, %scan3A_61 : i32
      %add3A_64 = arith.constant 1 : i32
      %add3A_65 = arith.addi %mul3A_63, %add3A_64 : i32
      %dma_start3A_66 = arith.constant 0 : i32
      %dma_start3A_67 = tpu.memref_slice %arg6[%add3A_65, %dma_start3A_66] : memref<125x80xi32, #tpu.memory_space<vmem>> -> memref<1x80xi32, #tpu.memory_space<vmem>>
      %dma_start3A_68 = tpu.memref_squeeze %dma_start3A_67 : memref<1x80xi32, #tpu.memory_space<vmem>> -> memref<80xi32, #tpu.memory_space<vmem>>
      %dma_start3A_69 = arith.constant 0 : i32
      %dma_start3A_70 = arith.constant 0 : i32
      %dma_start3A_71 = tpu.memref_slice %arg2[%dma_start3A_69, %dma_start3A_70] : memref<10000x16xf32, #tpu.memory_space<hbm>> -> memref<10000x16xf32, #tpu.memory_space<hbm>>
      tpu.enqueue_indirect_dma source(%dma_start3A_71 : memref<10000x16xf32, #tpu.memory_space<hbm>>) target(%arg9 : memref<80x16xf32, #tpu.memory_space<vmem>>) offsets(%dma_start3A_68 : memref<80xi32, #tpu.memory_space<vmem>>) semaphore(%arg11 : memref<!tpu.dma_semaphore, #tpu.memory_space<semaphore_mem>>)
      %dma_wait3A_72 = arith.constant 0 : i32
      %dma_wait3A_73 = tpu.memref_slice %arg6[%mul3A_63, %dma_wait3A_72] : memref<125x80xi32, #tpu.memory_space<vmem>> -> memref<1x80xi32, #tpu.memory_space<vmem>>
      %dma_wait3A_74 = tpu.memref_squeeze %dma_wait3A_73 : memref<1x80xi32, #tpu.memory_space<vmem>> -> memref<80xi32, #tpu.memory_space<vmem>>
      %dma_wait3A_75 = arith.constant 0 : i32
      %dma_wait3A_76 = arith.constant 0 : i32
      %dma_wait3A_77 = tpu.memref_slice %arg2[%dma_wait3A_75, %dma_wait3A_76] : memref<10000x16xf32, #tpu.memory_space<hbm>> -> memref<10000x16xf32, #tpu.memory_space<hbm>>
      tpu.wait_indirect_dma semaphore(%arg10 : memref<!tpu.dma_semaphore, #tpu.memory_space<semaphore_mem>>) src(%dma_wait3A_77 : memref<10000x16xf32, #tpu.memory_space<hbm>>) dst(%arg8 : memref<80x16xf32, #tpu.memory_space<vmem>>)
      "tpu.region"() ({
        %run_scoped3A_96 = tpu.sem_alloc : memref<!tpu.dma_semaphore, #tpu.memory_space<semaphore_mem>>
        %dma_start3A_97 = arith.constant 0 : i32
        %dma_start3A_98 = tpu.memref_slice %arg7[%mul3A_63, %dma_start3A_97] : memref<125x80xi32, #tpu.memory_space<vmem>> -> memref<1x80xi32, #tpu.memory_space<vmem>>
        %dma_start3A_99 = tpu.memref_squeeze %dma_start3A_98 : memref<1x80xi32, #tpu.memory_space<vmem>> -> memref<80xi32, #tpu.memory_space<vmem>>
        %dma_start3A_100 = arith.constant 0 : i32
        %dma_start3A_101 = arith.constant 0 : i32
        %dma_start3A_102 = tpu.memref_slice %arg12[%dma_start3A_100, %dma_start3A_101] : memref<10240x16xf32, #tpu.memory_space<vmem_shared>> -> memref<10240x16xf32, #tpu.memory_space<vmem_shared>>
        tpu.enqueue_indirect_dma source(%arg8 : memref<80x16xf32, #tpu.memory_space<vmem>>) target(%dma_start3A_102 : memref<10240x16xf32, #tpu.memory_space<vmem_shared>>) offsets(%dma_start3A_99 : memref<80xi32, #tpu.memory_space<vmem>>) semaphore(%run_scoped3A_96 : memref<!tpu.dma_semaphore, #tpu.memory_space<semaphore_mem>>) {add = true}
        %dma_wait3A_103 = arith.constant 0 : i32
        %dma_wait3A_104 = tpu.memref_slice %arg7[%mul3A_63, %dma_wait3A_103] : memref<125x80xi32, #tpu.memory_space<vmem>> -> memref<1x80xi32, #tpu.memory_space<vmem>>
        %dma_wait3A_105 = tpu.memref_squeeze %dma_wait3A_104 : memref<1x80xi32, #tpu.memory_space<vmem>> -> memref<80xi32, #tpu.memory_space<vmem>>
        %dma_wait3A_106 = arith.constant 0 : i32
        %dma_wait3A_107 = arith.constant 0 : i32
        %dma_wait3A_108 = tpu.memref_slice %arg12[%dma_wait3A_106, %dma_wait3A_107] : memref<10240x16xf32, #tpu.memory_space<vmem_shared>> -> memref<10240x16xf32, #tpu.memory_space<vmem_shared>>
        tpu.wait_indirect_dma semaphore(%run_scoped3A_96 : memref<!tpu.dma_semaphore, #tpu.memory_space<semaphore_mem>>) src(%arg8 : memref<80x16xf32, #tpu.memory_space<vmem>>) dst(%dma_wait3A_108 : memref<10240x16xf32, #tpu.memory_space<vmem_shared>>)
        tpu.yield
      }) : () -> ()
      %add3A_78 = arith.constant 2 : i32
      %add3A_79 = arith.addi %mul3A_63, %add3A_78 : i32
      %dma_start3A_80 = arith.constant 0 : i32
      %dma_start3A_81 = tpu.memref_slice %arg6[%add3A_79, %dma_start3A_80] : memref<125x80xi32, #tpu.memory_space<vmem>> -> memref<1x80xi32, #tpu.memory_space<vmem>>
      %dma_start3A_82 = tpu.memref_squeeze %dma_start3A_81 : memref<1x80xi32, #tpu.memory_space<vmem>> -> memref<80xi32, #tpu.memory_space<vmem>>
      %dma_start3A_83 = arith.constant 0 : i32
      %dma_start3A_84 = arith.constant 0 : i32
      %dma_start3A_85 = tpu.memref_slice %arg2[%dma_start3A_83, %dma_start3A_84] : memref<10000x16xf32, #tpu.memory_space<hbm>> -> memref<10000x16xf32, #tpu.memory_space<hbm>>
      tpu.enqueue_indirect_dma source(%dma_start3A_85 : memref<10000x16xf32, #tpu.memory_space<hbm>>) target(%arg8 : memref<80x16xf32, #tpu.memory_space<vmem>>) offsets(%dma_start3A_82 : memref<80xi32, #tpu.memory_space<vmem>>) semaphore(%arg10 : memref<!tpu.dma_semaphore, #tpu.memory_space<semaphore_mem>>)
      %add3A_86 = arith.constant 1 : i32
      %add3A_87 = arith.addi %mul3A_63, %add3A_86 : i32
      %dma_wait3A_88 = arith.constant 0 : i32
      %dma_wait3A_89 = tpu.memref_slice %arg6[%add3A_87, %dma_wait3A_88] : memref<125x80xi32, #tpu.memory_space<vmem>> -> memref<1x80xi32, #tpu.memory_space<vmem>>
      %dma_wait3A_90 = tpu.memref_squeeze %dma_wait3A_89 : memref<1x80xi32, #tpu.memory_space<vmem>> -> memref<80xi32, #tpu.memory_space<vmem>>
      %dma_wait3A_91 = arith.constant 0 : i32
      %dma_wait3A_92 = arith.constant 0 : i32
      %dma_wait3A_93 = tpu.memref_slice %arg2[%dma_wait3A_91, %dma_wait3A_92] : memref<10000x16xf32, #tpu.memory_space<hbm>> -> memref<10000x16xf32, #tpu.memory_space<hbm>>
      tpu.wait_indirect_dma semaphore(%arg11 : memref<!tpu.dma_semaphore, #tpu.memory_space<semaphore_mem>>) src(%dma_wait3A_93 : memref<10000x16xf32, #tpu.memory_space<hbm>>) dst(%arg9 : memref<80x16xf32, #tpu.memory_space<vmem>>)
      %add3A_94 = arith.constant 1 : i32
      %add3A_95 = arith.addi %mul3A_63, %add3A_94 : i32
      "tpu.region"() ({
        %run_scoped3A_96 = tpu.sem_alloc : memref<!tpu.dma_semaphore, #tpu.memory_space<semaphore_mem>>
        %dma_start3A_97 = arith.constant 0 : i32
        %dma_start3A_98 = tpu.memref_slice %arg7[%add3A_95, %dma_start3A_97] : memref<125x80xi32, #tpu.memory_space<vmem>> -> memref<1x80xi32, #tpu.memory_space<vmem>>
        %dma_start3A_99 = tpu.memref_squeeze %dma_start3A_98 : memref<1x80xi32, #tpu.memory_space<vmem>> -> memref<80xi32, #tpu.memory_space<vmem>>
        %dma_start3A_100 = arith.constant 0 : i32
        %dma_start3A_101 = arith.constant 0 : i32
        %dma_start3A_102 = tpu.memref_slice %arg12[%dma_start3A_100, %dma_start3A_101] : memref<10240x16xf32, #tpu.memory_space<vmem_shared>> -> memref<10240x16xf32, #tpu.memory_space<vmem_shared>>
        tpu.enqueue_indirect_dma source(%arg9 : memref<80x16xf32, #tpu.memory_space<vmem>>) target(%dma_start3A_102 : memref<10240x16xf32, #tpu.memory_space<vmem_shared>>) offsets(%dma_start3A_99 : memref<80xi32, #tpu.memory_space<vmem>>) semaphore(%run_scoped3A_96 : memref<!tpu.dma_semaphore, #tpu.memory_space<semaphore_mem>>) {add = true}
        %dma_wait3A_103 = arith.constant 0 : i32
        %dma_wait3A_104 = tpu.memref_slice %arg7[%add3A_95, %dma_wait3A_103] : memref<125x80xi32, #tpu.memory_space<vmem>> -> memref<1x80xi32, #tpu.memory_space<vmem>>
        %dma_wait3A_105 = tpu.memref_squeeze %dma_wait3A_104 : memref<1x80xi32, #tpu.memory_space<vmem>> -> memref<80xi32, #tpu.memory_space<vmem>>
        %dma_wait3A_106 = arith.constant 0 : i32
        %dma_wait3A_107 = arith.constant 0 : i32
        %dma_wait3A_108 = tpu.memref_slice %arg12[%dma_wait3A_106, %dma_wait3A_107] : memref<10240x16xf32, #tpu.memory_space<vmem_shared>> -> memref<10240x16xf32, #tpu.memory_space<vmem_shared>>
        tpu.wait_indirect_dma semaphore(%run_scoped3A_96 : memref<!tpu.dma_semaphore, #tpu.memory_space<semaphore_mem>>) src(%arg9 : memref<80x16xf32, #tpu.memory_space<vmem>>) dst(%dma_wait3A_108 : memref<10240x16xf32, #tpu.memory_space<vmem_shared>>)
        tpu.yield
      }) : () -> ()
    }
    %scan3A_49 = arith.constant 62 : i32
    %dma_wait3A = arith.constant 124 : i32
    %dma_wait3A_50 = arith.constant 0 : i32
    %dma_wait3A_51 = tpu.memref_slice %arg6[%dma_wait3A, %dma_wait3A_50] : memref<125x80xi32, #tpu.memory_space<vmem>> -> memref<1x80xi32, #tpu.memory_space<vmem>>
    %dma_wait3A_52 = tpu.memref_squeeze %dma_wait3A_51 : memref<1x80xi32, #tpu.memory_space<vmem>> -> memref<80xi32, #tpu.memory_space<vmem>>
    %dma_wait3A_53 = arith.constant 0 : i32
    %dma_wait3A_54 = arith.constant 0 : i32
    %dma_wait3A_55 = tpu.memref_slice %arg2[%dma_wait3A_53, %dma_wait3A_54] : memref<10000x16xf32, #tpu.memory_space<hbm>> -> memref<10000x16xf32, #tpu.memory_space<hbm>>
    tpu.wait_indirect_dma semaphore(%arg10 : memref<!tpu.dma_semaphore, #tpu.memory_space<semaphore_mem>>) src(%dma_wait3A_55 : memref<10000x16xf32, #tpu.memory_space<hbm>>) dst(%arg8 : memref<80x16xf32, #tpu.memory_space<vmem>>)
    %run_scoped3A = arith.constant 124 : i32
    "tpu.region"() ({
      %run_scoped3A_61 = tpu.sem_alloc : memref<!tpu.dma_semaphore, #tpu.memory_space<semaphore_mem>>
      %dma_start3A_62 = arith.constant 0 : i32
      %dma_start3A_63 = tpu.memref_slice %arg7[%run_scoped3A, %dma_start3A_62] : memref<125x80xi32, #tpu.memory_space<vmem>> -> memref<1x80xi32, #tpu.memory_space<vmem>>
      %dma_start3A_64 = tpu.memref_squeeze %dma_start3A_63 : memref<1x80xi32, #tpu.memory_space<vmem>> -> memref<80xi32, #tpu.memory_space<vmem>>
      %dma_start3A_65 = arith.constant 0 : i32
      %dma_start3A_66 = arith.constant 0 : i32
      %dma_start3A_67 = tpu.memref_slice %arg12[%dma_start3A_65, %dma_start3A_66] : memref<10240x16xf32, #tpu.memory_space<vmem_shared>> -> memref<10240x16xf32, #tpu.memory_space<vmem_shared>>
      tpu.enqueue_indirect_dma source(%arg8 : memref<80x16xf32, #tpu.memory_space<vmem>>) target(%dma_start3A_67 : memref<10240x16xf32, #tpu.memory_space<vmem_shared>>) offsets(%dma_start3A_64 : memref<80xi32, #tpu.memory_space<vmem>>) semaphore(%run_scoped3A_61 : memref<!tpu.dma_semaphore, #tpu.memory_space<semaphore_mem>>) {add = true}
      %dma_wait3A_68 = arith.constant 0 : i32
      %dma_wait3A_69 = tpu.memref_slice %arg7[%run_scoped3A, %dma_wait3A_68] : memref<125x80xi32, #tpu.memory_space<vmem>> -> memref<1x80xi32, #tpu.memory_space<vmem>>
      %dma_wait3A_70 = tpu.memref_squeeze %dma_wait3A_69 : memref<1x80xi32, #tpu.memory_space<vmem>> -> memref<80xi32, #tpu.memory_space<vmem>>
      %dma_wait3A_71 = arith.constant 0 : i32
      %dma_wait3A_72 = arith.constant 0 : i32
      %dma_wait3A_73 = tpu.memref_slice %arg12[%dma_wait3A_71, %dma_wait3A_72] : memref<10240x16xf32, #tpu.memory_space<vmem_shared>> -> memref<10240x16xf32, #tpu.memory_space<vmem_shared>>
      tpu.wait_indirect_dma semaphore(%run_scoped3A_61 : memref<!tpu.dma_semaphore, #tpu.memory_space<semaphore_mem>>) src(%arg8 : memref<80x16xf32, #tpu.memory_space<vmem>>) dst(%dma_wait3A_73 : memref<10240x16xf32, #tpu.memory_space<vmem_shared>>)
      tpu.yield
    }) : () -> ()
    %barrier3A_56 = arith.constant 0 : index
    tpu.barrier barrier_id(%barrier3A_56)
    %mul3A_57 = arith.constant 640 : i32
    %mul3A_58 = arith.muli %arg1, %mul3A_57 : i32
    %mul3A_59 = arith.constant 640 : i32
    %mul3A_60 = arith.muli %arg1, %mul3A_59 : i32
    "tpu.region"() ({
      %run_scoped3A_61 = tpu.sem_alloc : memref<!tpu.dma_semaphore, #tpu.memory_space<semaphore_mem>>
      %dma_start3A_62 = arith.constant 0 : i32
      %dma_start3A_63 = tpu.memref_slice %arg5[%arg0, %mul3A_60, %dma_start3A_62] : memref<2x10240x16xf32, #tpu.memory_space<hbm>> -> memref<1x640x16xf32, #tpu.memory_space<hbm>>
      %dma_start3A_64 = tpu.memref_squeeze %dma_start3A_63 : memref<1x640x16xf32, #tpu.memory_space<hbm>> -> memref<640x16xf32, #tpu.memory_space<hbm>>
      %dma_start3A_65 = arith.constant 0 : i32
      %dma_start3A_66 = tpu.memref_slice %arg12[%mul3A_58, %dma_start3A_65] : memref<10240x16xf32, #tpu.memory_space<vmem_shared>> -> memref<640x16xf32, #tpu.memory_space<vmem_shared>>
      tpu.enqueue_dma source(%dma_start3A_66 : memref<640x16xf32, #tpu.memory_space<vmem_shared>>) target(%dma_start3A_64 : memref<640x16xf32, #tpu.memory_space<hbm>>) target_semaphore(%run_scoped3A_61 : memref<!tpu.dma_semaphore, #tpu.memory_space<semaphore_mem>>)
      %dma_wait3A_67 = arith.constant 0 : i32
      %dma_wait3A_68 = tpu.memref_slice %arg5[%arg0, %mul3A_60, %dma_wait3A_67] : memref<2x10240x16xf32, #tpu.memory_space<hbm>> -> memref<1x640x16xf32, #tpu.memory_space<hbm>>
      %dma_wait3A_69 = tpu.memref_squeeze %dma_wait3A_68 : memref<1x640x16xf32, #tpu.memory_space<hbm>> -> memref<640x16xf32, #tpu.memory_space<hbm>>
      %dma_wait3A_70 = arith.constant 0 : i32
      %dma_wait3A_71 = tpu.memref_slice %arg12[%mul3A_58, %dma_wait3A_70] : memref<10240x16xf32, #tpu.memory_space<vmem_shared>> -> memref<640x16xf32, #tpu.memory_space<vmem_shared>>
      tpu.wait_dma2 semaphore(%run_scoped3A_61 : memref<!tpu.dma_semaphore, #tpu.memory_space<semaphore_mem>>) src(%dma_wait3A_71 : memref<640x16xf32, #tpu.memory_space<vmem_shared>>) dst(%dma_wait3A_69 : memref<640x16xf32, #tpu.memory_space<hbm>>)
      tpu.yield
    }) : () -> ()
    return
  }
}

#map = affine_map<(d0, d1) -> (0, 0)>
#map1 = affine_map<(d0, d1) -> (0, 0, 0)>
module attributes {stable_mosaic.version = 14 : i64} {
  func.func @edge_pass(%arg0: i32, %arg1: i32, %arg2: memref<10000x16xf32, #tpu.memory_space<hbm>>, %arg3: memref<32x125x80xi32, #tpu.memory_space<hbm>>, %arg4: memref<32x125x80xi32, #tpu.memory_space<hbm>>, %arg5: memref<2x10240x16xf32, #tpu.memory_space<hbm>>, %arg6: memref<125x80xi32, #tpu.memory_space<vmem>>, %arg7: memref<125x80xi32, #tpu.memory_space<vmem>>, %arg8: memref<80x16xf32, #tpu.memory_space<vmem>>, %arg9: memref<80x16xf32, #tpu.memory_space<vmem>>, %arg10: memref<!tpu.dma_semaphore, #tpu.memory_space<semaphore_mem>>, %arg11: memref<!tpu.dma_semaphore, #tpu.memory_space<semaphore_mem>>, %arg12: memref<10240x16xf32, #tpu.memory_space<vmem_shared>>) attributes {dimension_semantics = [#tpu.dimension_semantics<core_parallel>, #tpu.dimension_semantics<subcore_parallel>], iteration_bounds = array<i64: 2, 16>, scalar_prefetch = 0 : i64, scratch_operands = 7 : i64, tpu.core_type = #tpu.core_type<sc_vector_subcore>, window_params = [{transform_indices = #map}, {transform_indices = #map1}, {transform_indices = #map1}, {transform_indices = #map1}]} {
    %mul3A = arith.constant 2 : i32
    %mul3A_0 = arith.muli %arg1, %mul3A : i32
    %add3A = arith.addi %mul3A_0, %arg0 : i32
    "tpu.region"() ({
      %run_scoped3A_61 = tpu.sem_alloc : memref<!tpu.dma_semaphore, #tpu.memory_space<semaphore_mem>>
      %dma_start3A_62 = arith.constant 0 : i32
      %dma_start3A_63 = arith.constant 0 : i32
      %dma_start3A_64 = tpu.memref_slice %arg3[%add3A, %dma_start3A_62, %dma_start3A_63] : memref<32x125x80xi32, #tpu.memory_space<hbm>> -> memref<1x125x80xi32, #tpu.memory_space<hbm>>
      %dma_start3A_65 = tpu.memref_squeeze %dma_start3A_64 : memref<1x125x80xi32, #tpu.memory_space<hbm>> -> memref<125x80xi32, #tpu.memory_space<hbm>>
      %dma_start3A_66 = arith.constant 0 : i32
      %dma_start3A_67 = arith.constant 0 : i32
      %dma_start3A_68 = tpu.memref_slice %arg3[%add3A, %dma_start3A_66, %dma_start3A_67] : memref<32x125x80xi32, #tpu.memory_space<hbm>> -> memref<1x125x80xi32, #tpu.memory_space<hbm>>
      %dma_start3A_69 = tpu.memref_squeeze %dma_start3A_68 : memref<1x125x80xi32, #tpu.memory_space<hbm>> -> memref<125x80xi32, #tpu.memory_space<hbm>>
      tpu.enqueue_dma source(%dma_start3A_69 : memref<125x80xi32, #tpu.memory_space<hbm>>) target(%arg6 : memref<125x80xi32, #tpu.memory_space<vmem>>) target_semaphore(%run_scoped3A_61 : memref<!tpu.dma_semaphore, #tpu.memory_space<semaphore_mem>>)
      %dma_wait3A_70 = arith.constant 0 : i32
      %dma_wait3A_71 = arith.constant 0 : i32
      %dma_wait3A_72 = tpu.memref_slice %arg3[%add3A, %dma_wait3A_70, %dma_wait3A_71] : memref<32x125x80xi32, #tpu.memory_space<hbm>> -> memref<1x125x80xi32, #tpu.memory_space<hbm>>
      %dma_wait3A_73 = tpu.memref_squeeze %dma_wait3A_72 : memref<1x125x80xi32, #tpu.memory_space<hbm>> -> memref<125x80xi32, #tpu.memory_space<hbm>>
      %dma_wait3A_74 = arith.constant 0 : i32
      %dma_wait3A_75 = arith.constant 0 : i32
      %dma_wait3A_76 = tpu.memref_slice %arg3[%add3A, %dma_wait3A_74, %dma_wait3A_75] : memref<32x125x80xi32, #tpu.memory_space<hbm>> -> memref<1x125x80xi32, #tpu.memory_space<hbm>>
      %dma_wait3A_77 = tpu.memref_squeeze %dma_wait3A_76 : memref<1x125x80xi32, #tpu.memory_space<hbm>> -> memref<125x80xi32, #tpu.memory_space<hbm>>
      tpu.wait_dma2 semaphore(%run_scoped3A_61 : memref<!tpu.dma_semaphore, #tpu.memory_space<semaphore_mem>>) src(%dma_wait3A_77 : memref<125x80xi32, #tpu.memory_space<hbm>>) dst(%arg6 : memref<125x80xi32, #tpu.memory_space<vmem>>)
      tpu.yield
    }) : () -> ()
    "tpu.region"() ({
      %run_scoped3A_61 = tpu.sem_alloc : memref<!tpu.dma_semaphore, #tpu.memory_space<semaphore_mem>>
      %dma_start3A_62 = arith.constant 0 : i32
      %dma_start3A_63 = arith.constant 0 : i32
      %dma_start3A_64 = tpu.memref_slice %arg4[%add3A, %dma_start3A_62, %dma_start3A_63] : memref<32x125x80xi32, #tpu.memory_space<hbm>> -> memref<1x125x80xi32, #tpu.memory_space<hbm>>
      %dma_start3A_65 = tpu.memref_squeeze %dma_start3A_64 : memref<1x125x80xi32, #tpu.memory_space<hbm>> -> memref<125x80xi32, #tpu.memory_space<hbm>>
      %dma_start3A_66 = arith.constant 0 : i32
      %dma_start3A_67 = arith.constant 0 : i32
      %dma_start3A_68 = tpu.memref_slice %arg4[%add3A, %dma_start3A_66, %dma_start3A_67] : memref<32x125x80xi32, #tpu.memory_space<hbm>> -> memref<1x125x80xi32, #tpu.memory_space<hbm>>
      %dma_start3A_69 = tpu.memref_squeeze %dma_start3A_68 : memref<1x125x80xi32, #tpu.memory_space<hbm>> -> memref<125x80xi32, #tpu.memory_space<hbm>>
      tpu.enqueue_dma source(%dma_start3A_69 : memref<125x80xi32, #tpu.memory_space<hbm>>) target(%arg7 : memref<125x80xi32, #tpu.memory_space<vmem>>) target_semaphore(%run_scoped3A_61 : memref<!tpu.dma_semaphore, #tpu.memory_space<semaphore_mem>>)
      %dma_wait3A_70 = arith.constant 0 : i32
      %dma_wait3A_71 = arith.constant 0 : i32
      %dma_wait3A_72 = tpu.memref_slice %arg4[%add3A, %dma_wait3A_70, %dma_wait3A_71] : memref<32x125x80xi32, #tpu.memory_space<hbm>> -> memref<1x125x80xi32, #tpu.memory_space<hbm>>
      %dma_wait3A_73 = tpu.memref_squeeze %dma_wait3A_72 : memref<1x125x80xi32, #tpu.memory_space<hbm>> -> memref<125x80xi32, #tpu.memory_space<hbm>>
      %dma_wait3A_74 = arith.constant 0 : i32
      %dma_wait3A_75 = arith.constant 0 : i32
      %dma_wait3A_76 = tpu.memref_slice %arg4[%add3A, %dma_wait3A_74, %dma_wait3A_75] : memref<32x125x80xi32, #tpu.memory_space<hbm>> -> memref<1x125x80xi32, #tpu.memory_space<hbm>>
      %dma_wait3A_77 = tpu.memref_squeeze %dma_wait3A_76 : memref<1x125x80xi32, #tpu.memory_space<hbm>> -> memref<125x80xi32, #tpu.memory_space<hbm>>
      tpu.wait_dma2 semaphore(%run_scoped3A_61 : memref<!tpu.dma_semaphore, #tpu.memory_space<semaphore_mem>>) src(%dma_wait3A_77 : memref<125x80xi32, #tpu.memory_space<hbm>>) dst(%arg7 : memref<125x80xi32, #tpu.memory_space<vmem>>)
      tpu.yield
    }) : () -> ()
    %scan3A = arith.constant 0 : i32
    %scan3A_1 = arith.constant 0 : i32
    %scan3A_2 = arith.constant 80 : i32
    %scan3A_3 = arith.addi %scan3A_1, %scan3A_2 : i32
    %scan3A_4 = arith.constant 1 : i32
    scf.for %scan3A_61 = %scan3A_1 to %scan3A_3 step %scan3A_4  : i32 {
      %broadcast_in_dim3A = arith.constant 0.000000e+00 : f32
      %broadcast_in_dim3A_62 = vector.broadcast %broadcast_in_dim3A : f32 to vector<16xf32>
      %swap3A = arith.index_cast %scan3A_61 : i32 to index
      %swap3A_63 = arith.constant 0 : index
      %swap3A_64 = tpu.vector_load %arg8[%swap3A, %swap3A_63] {strides = array<i32>} : memref<80x16xf32, #tpu.memory_space<vmem>>, vector<1x16xf32>,
      %swap3A_65 = vector.shape_cast %swap3A_64 : vector<1x16xf32> to vector<16xf32>
      %swap3A_66 = vector.shape_cast %broadcast_in_dim3A_62 : vector<16xf32> to vector<1x16xf32>
      tpu.vector_store %arg8[%swap3A, %swap3A_63], %swap3A_66 {strides = array<i32>} : memref<80x16xf32, #tpu.memory_space<vmem>>, vector<1x16xf32>,
    }
    %scan3A_5 = arith.constant 80 : i32
    %mul3A_6 = arith.constant 640 : i32
    %mul3A_7 = arith.muli %arg1, %mul3A_6 : i32
    %add3A_8 = arith.constant 0 : i32
    %add3A_9 = arith.addi %mul3A_7, %add3A_8 : i32
    "tpu.region"() ({
      %run_scoped3A_61 = tpu.sem_alloc : memref<!tpu.dma_semaphore, #tpu.memory_space<semaphore_mem>>
      %dma_start3A_62 = arith.constant 0 : i32
      %dma_start3A_63 = tpu.memref_slice %arg12[%add3A_9, %dma_start3A_62] : memref<10240x16xf32, #tpu.memory_space<vmem_shared>> -> memref<80x16xf32, #tpu.memory_space<vmem_shared>>
      %dma_start3A_64 = arith.constant 0 : i32
      %dma_start3A_65 = tpu.memref_slice %arg12[%add3A_9, %dma_start3A_64] : memref<10240x16xf32, #tpu.memory_space<vmem_shared>> -> memref<80x16xf32, #tpu.memory_space<vmem_shared>>
      tpu.enqueue_dma source(%arg8 : memref<80x16xf32, #tpu.memory_space<vmem>>) target(%dma_start3A_65 : memref<80x16xf32, #tpu.memory_space<vmem_shared>>) target_semaphore(%run_scoped3A_61 : memref<!tpu.dma_semaphore, #tpu.memory_space<semaphore_mem>>)
      %dma_wait3A_66 = arith.constant 0 : i32
      %dma_wait3A_67 = tpu.memref_slice %arg12[%add3A_9, %dma_wait3A_66] : memref<10240x16xf32, #tpu.memory_space<vmem_shared>> -> memref<80x16xf32, #tpu.memory_space<vmem_shared>>
      %dma_wait3A_68 = arith.constant 0 : i32
      %dma_wait3A_69 = tpu.memref_slice %arg12[%add3A_9, %dma_wait3A_68] : memref<10240x16xf32, #tpu.memory_space<vmem_shared>> -> memref<80x16xf32, #tpu.memory_space<vmem_shared>>
      tpu.wait_dma2 semaphore(%run_scoped3A_61 : memref<!tpu.dma_semaphore, #tpu.memory_space<semaphore_mem>>) src(%arg8 : memref<80x16xf32, #tpu.memory_space<vmem>>) dst(%dma_wait3A_69 : memref<80x16xf32, #tpu.memory_space<vmem_shared>>)
      tpu.yield
    }) : () -> ()
    %mul3A_10 = arith.constant 640 : i32
    %mul3A_11 = arith.muli %arg1, %mul3A_10 : i32
    %add3A_12 = arith.constant 80 : i32
    %add3A_13 = arith.addi %mul3A_11, %add3A_12 : i32
    "tpu.region"() ({
      %run_scoped3A_61 = tpu.sem_alloc : memref<!tpu.dma_semaphore, #tpu.memory_space<semaphore_mem>>
      %dma_start3A_62 = arith.constant 0 : i32
      %dma_start3A_63 = tpu.memref_slice %arg12[%add3A_13, %dma_start3A_62] : memref<10240x16xf32, #tpu.memory_space<vmem_shared>> -> memref<80x16xf32, #tpu.memory_space<vmem_shared>>
      %dma_start3A_64 = arith.constant 0 : i32
      %dma_start3A_65 = tpu.memref_slice %arg12[%add3A_13, %dma_start3A_64] : memref<10240x16xf32, #tpu.memory_space<vmem_shared>> -> memref<80x16xf32, #tpu.memory_space<vmem_shared>>
      tpu.enqueue_dma source(%arg8 : memref<80x16xf32, #tpu.memory_space<vmem>>) target(%dma_start3A_65 : memref<80x16xf32, #tpu.memory_space<vmem_shared>>) target_semaphore(%run_scoped3A_61 : memref<!tpu.dma_semaphore, #tpu.memory_space<semaphore_mem>>)
      %dma_wait3A_66 = arith.constant 0 : i32
      %dma_wait3A_67 = tpu.memref_slice %arg12[%add3A_13, %dma_wait3A_66] : memref<10240x16xf32, #tpu.memory_space<vmem_shared>> -> memref<80x16xf32, #tpu.memory_space<vmem_shared>>
      %dma_wait3A_68 = arith.constant 0 : i32
      %dma_wait3A_69 = tpu.memref_slice %arg12[%add3A_13, %dma_wait3A_68] : memref<10240x16xf32, #tpu.memory_space<vmem_shared>> -> memref<80x16xf32, #tpu.memory_space<vmem_shared>>
      tpu.wait_dma2 semaphore(%run_scoped3A_61 : memref<!tpu.dma_semaphore, #tpu.memory_space<semaphore_mem>>) src(%arg8 : memref<80x16xf32, #tpu.memory_space<vmem>>) dst(%dma_wait3A_69 : memref<80x16xf32, #tpu.memory_space<vmem_shared>>)
      tpu.yield
    }) : () -> ()
    %mul3A_14 = arith.constant 640 : i32
    %mul3A_15 = arith.muli %arg1, %mul3A_14 : i32
    %add3A_16 = arith.constant 160 : i32
    %add3A_17 = arith.addi %mul3A_15, %add3A_16 : i32
    "tpu.region"() ({
      %run_scoped3A_61 = tpu.sem_alloc : memref<!tpu.dma_semaphore, #tpu.memory_space<semaphore_mem>>
      %dma_start3A_62 = arith.constant 0 : i32
      %dma_start3A_63 = tpu.memref_slice %arg12[%add3A_17, %dma_start3A_62] : memref<10240x16xf32, #tpu.memory_space<vmem_shared>> -> memref<80x16xf32, #tpu.memory_space<vmem_shared>>
      %dma_start3A_64 = arith.constant 0 : i32
      %dma_start3A_65 = tpu.memref_slice %arg12[%add3A_17, %dma_start3A_64] : memref<10240x16xf32, #tpu.memory_space<vmem_shared>> -> memref<80x16xf32, #tpu.memory_space<vmem_shared>>
      tpu.enqueue_dma source(%arg8 : memref<80x16xf32, #tpu.memory_space<vmem>>) target(%dma_start3A_65 : memref<80x16xf32, #tpu.memory_space<vmem_shared>>) target_semaphore(%run_scoped3A_61 : memref<!tpu.dma_semaphore, #tpu.memory_space<semaphore_mem>>)
      %dma_wait3A_66 = arith.constant 0 : i32
      %dma_wait3A_67 = tpu.memref_slice %arg12[%add3A_17, %dma_wait3A_66] : memref<10240x16xf32, #tpu.memory_space<vmem_shared>> -> memref<80x16xf32, #tpu.memory_space<vmem_shared>>
      %dma_wait3A_68 = arith.constant 0 : i32
      %dma_wait3A_69 = tpu.memref_slice %arg12[%add3A_17, %dma_wait3A_68] : memref<10240x16xf32, #tpu.memory_space<vmem_shared>> -> memref<80x16xf32, #tpu.memory_space<vmem_shared>>
      tpu.wait_dma2 semaphore(%run_scoped3A_61 : memref<!tpu.dma_semaphore, #tpu.memory_space<semaphore_mem>>) src(%arg8 : memref<80x16xf32, #tpu.memory_space<vmem>>) dst(%dma_wait3A_69 : memref<80x16xf32, #tpu.memory_space<vmem_shared>>)
      tpu.yield
    }) : () -> ()
    %mul3A_18 = arith.constant 640 : i32
    %mul3A_19 = arith.muli %arg1, %mul3A_18 : i32
    %add3A_20 = arith.constant 240 : i32
    %add3A_21 = arith.addi %mul3A_19, %add3A_20 : i32
    "tpu.region"() ({
      %run_scoped3A_61 = tpu.sem_alloc : memref<!tpu.dma_semaphore, #tpu.memory_space<semaphore_mem>>
      %dma_start3A_62 = arith.constant 0 : i32
      %dma_start3A_63 = tpu.memref_slice %arg12[%add3A_21, %dma_start3A_62] : memref<10240x16xf32, #tpu.memory_space<vmem_shared>> -> memref<80x16xf32, #tpu.memory_space<vmem_shared>>
      %dma_start3A_64 = arith.constant 0 : i32
      %dma_start3A_65 = tpu.memref_slice %arg12[%add3A_21, %dma_start3A_64] : memref<10240x16xf32, #tpu.memory_space<vmem_shared>> -> memref<80x16xf32, #tpu.memory_space<vmem_shared>>
      tpu.enqueue_dma source(%arg8 : memref<80x16xf32, #tpu.memory_space<vmem>>) target(%dma_start3A_65 : memref<80x16xf32, #tpu.memory_space<vmem_shared>>) target_semaphore(%run_scoped3A_61 : memref<!tpu.dma_semaphore, #tpu.memory_space<semaphore_mem>>)
      %dma_wait3A_66 = arith.constant 0 : i32
      %dma_wait3A_67 = tpu.memref_slice %arg12[%add3A_21, %dma_wait3A_66] : memref<10240x16xf32, #tpu.memory_space<vmem_shared>> -> memref<80x16xf32, #tpu.memory_space<vmem_shared>>
      %dma_wait3A_68 = arith.constant 0 : i32
      %dma_wait3A_69 = tpu.memref_slice %arg12[%add3A_21, %dma_wait3A_68] : memref<10240x16xf32, #tpu.memory_space<vmem_shared>> -> memref<80x16xf32, #tpu.memory_space<vmem_shared>>
      tpu.wait_dma2 semaphore(%run_scoped3A_61 : memref<!tpu.dma_semaphore, #tpu.memory_space<semaphore_mem>>) src(%arg8 : memref<80x16xf32, #tpu.memory_space<vmem>>) dst(%dma_wait3A_69 : memref<80x16xf32, #tpu.memory_space<vmem_shared>>)
      tpu.yield
    }) : () -> ()
    %mul3A_22 = arith.constant 640 : i32
    %mul3A_23 = arith.muli %arg1, %mul3A_22 : i32
    %add3A_24 = arith.constant 320 : i32
    %add3A_25 = arith.addi %mul3A_23, %add3A_24 : i32
    "tpu.region"() ({
      %run_scoped3A_61 = tpu.sem_alloc : memref<!tpu.dma_semaphore, #tpu.memory_space<semaphore_mem>>
      %dma_start3A_62 = arith.constant 0 : i32
      %dma_start3A_63 = tpu.memref_slice %arg12[%add3A_25, %dma_start3A_62] : memref<10240x16xf32, #tpu.memory_space<vmem_shared>> -> memref<80x16xf32, #tpu.memory_space<vmem_shared>>
      %dma_start3A_64 = arith.constant 0 : i32
      %dma_start3A_65 = tpu.memref_slice %arg12[%add3A_25, %dma_start3A_64] : memref<10240x16xf32, #tpu.memory_space<vmem_shared>> -> memref<80x16xf32, #tpu.memory_space<vmem_shared>>
      tpu.enqueue_dma source(%arg8 : memref<80x16xf32, #tpu.memory_space<vmem>>) target(%dma_start3A_65 : memref<80x16xf32, #tpu.memory_space<vmem_shared>>) target_semaphore(%run_scoped3A_61 : memref<!tpu.dma_semaphore, #tpu.memory_space<semaphore_mem>>)
      %dma_wait3A_66 = arith.constant 0 : i32
      %dma_wait3A_67 = tpu.memref_slice %arg12[%add3A_25, %dma_wait3A_66] : memref<10240x16xf32, #tpu.memory_space<vmem_shared>> -> memref<80x16xf32, #tpu.memory_space<vmem_shared>>
      %dma_wait3A_68 = arith.constant 0 : i32
      %dma_wait3A_69 = tpu.memref_slice %arg12[%add3A_25, %dma_wait3A_68] : memref<10240x16xf32, #tpu.memory_space<vmem_shared>> -> memref<80x16xf32, #tpu.memory_space<vmem_shared>>
      tpu.wait_dma2 semaphore(%run_scoped3A_61 : memref<!tpu.dma_semaphore, #tpu.memory_space<semaphore_mem>>) src(%arg8 : memref<80x16xf32, #tpu.memory_space<vmem>>) dst(%dma_wait3A_69 : memref<80x16xf32, #tpu.memory_space<vmem_shared>>)
      tpu.yield
    }) : () -> ()
    %mul3A_26 = arith.constant 640 : i32
    %mul3A_27 = arith.muli %arg1, %mul3A_26 : i32
    %add3A_28 = arith.constant 400 : i32
    %add3A_29 = arith.addi %mul3A_27, %add3A_28 : i32
    "tpu.region"() ({
      %run_scoped3A_61 = tpu.sem_alloc : memref<!tpu.dma_semaphore, #tpu.memory_space<semaphore_mem>>
      %dma_start3A_62 = arith.constant 0 : i32
      %dma_start3A_63 = tpu.memref_slice %arg12[%add3A_29, %dma_start3A_62] : memref<10240x16xf32, #tpu.memory_space<vmem_shared>> -> memref<80x16xf32, #tpu.memory_space<vmem_shared>>
      %dma_start3A_64 = arith.constant 0 : i32
      %dma_start3A_65 = tpu.memref_slice %arg12[%add3A_29, %dma_start3A_64] : memref<10240x16xf32, #tpu.memory_space<vmem_shared>> -> memref<80x16xf32, #tpu.memory_space<vmem_shared>>
      tpu.enqueue_dma source(%arg8 : memref<80x16xf32, #tpu.memory_space<vmem>>) target(%dma_start3A_65 : memref<80x16xf32, #tpu.memory_space<vmem_shared>>) target_semaphore(%run_scoped3A_61 : memref<!tpu.dma_semaphore, #tpu.memory_space<semaphore_mem>>)
      %dma_wait3A_66 = arith.constant 0 : i32
      %dma_wait3A_67 = tpu.memref_slice %arg12[%add3A_29, %dma_wait3A_66] : memref<10240x16xf32, #tpu.memory_space<vmem_shared>> -> memref<80x16xf32, #tpu.memory_space<vmem_shared>>
      %dma_wait3A_68 = arith.constant 0 : i32
      %dma_wait3A_69 = tpu.memref_slice %arg12[%add3A_29, %dma_wait3A_68] : memref<10240x16xf32, #tpu.memory_space<vmem_shared>> -> memref<80x16xf32, #tpu.memory_space<vmem_shared>>
      tpu.wait_dma2 semaphore(%run_scoped3A_61 : memref<!tpu.dma_semaphore, #tpu.memory_space<semaphore_mem>>) src(%arg8 : memref<80x16xf32, #tpu.memory_space<vmem>>) dst(%dma_wait3A_69 : memref<80x16xf32, #tpu.memory_space<vmem_shared>>)
      tpu.yield
    }) : () -> ()
    %mul3A_30 = arith.constant 640 : i32
    %mul3A_31 = arith.muli %arg1, %mul3A_30 : i32
    %add3A_32 = arith.constant 480 : i32
    %add3A_33 = arith.addi %mul3A_31, %add3A_32 : i32
    "tpu.region"() ({
      %run_scoped3A_61 = tpu.sem_alloc : memref<!tpu.dma_semaphore, #tpu.memory_space<semaphore_mem>>
      %dma_start3A_62 = arith.constant 0 : i32
      %dma_start3A_63 = tpu.memref_slice %arg12[%add3A_33, %dma_start3A_62] : memref<10240x16xf32, #tpu.memory_space<vmem_shared>> -> memref<80x16xf32, #tpu.memory_space<vmem_shared>>
      %dma_start3A_64 = arith.constant 0 : i32
      %dma_start3A_65 = tpu.memref_slice %arg12[%add3A_33, %dma_start3A_64] : memref<10240x16xf32, #tpu.memory_space<vmem_shared>> -> memref<80x16xf32, #tpu.memory_space<vmem_shared>>
      tpu.enqueue_dma source(%arg8 : memref<80x16xf32, #tpu.memory_space<vmem>>) target(%dma_start3A_65 : memref<80x16xf32, #tpu.memory_space<vmem_shared>>) target_semaphore(%run_scoped3A_61 : memref<!tpu.dma_semaphore, #tpu.memory_space<semaphore_mem>>)
      %dma_wait3A_66 = arith.constant 0 : i32
      %dma_wait3A_67 = tpu.memref_slice %arg12[%add3A_33, %dma_wait3A_66] : memref<10240x16xf32, #tpu.memory_space<vmem_shared>> -> memref<80x16xf32, #tpu.memory_space<vmem_shared>>
      %dma_wait3A_68 = arith.constant 0 : i32
      %dma_wait3A_69 = tpu.memref_slice %arg12[%add3A_33, %dma_wait3A_68] : memref<10240x16xf32, #tpu.memory_space<vmem_shared>> -> memref<80x16xf32, #tpu.memory_space<vmem_shared>>
      tpu.wait_dma2 semaphore(%run_scoped3A_61 : memref<!tpu.dma_semaphore, #tpu.memory_space<semaphore_mem>>) src(%arg8 : memref<80x16xf32, #tpu.memory_space<vmem>>) dst(%dma_wait3A_69 : memref<80x16xf32, #tpu.memory_space<vmem_shared>>)
      tpu.yield
    }) : () -> ()
    %mul3A_34 = arith.constant 640 : i32
    %mul3A_35 = arith.muli %arg1, %mul3A_34 : i32
    %add3A_36 = arith.constant 560 : i32
    %add3A_37 = arith.addi %mul3A_35, %add3A_36 : i32
    "tpu.region"() ({
      %run_scoped3A_61 = tpu.sem_alloc : memref<!tpu.dma_semaphore, #tpu.memory_space<semaphore_mem>>
      %dma_start3A_62 = arith.constant 0 : i32
      %dma_start3A_63 = tpu.memref_slice %arg12[%add3A_37, %dma_start3A_62] : memref<10240x16xf32, #tpu.memory_space<vmem_shared>> -> memref<80x16xf32, #tpu.memory_space<vmem_shared>>
      %dma_start3A_64 = arith.constant 0 : i32
      %dma_start3A_65 = tpu.memref_slice %arg12[%add3A_37, %dma_start3A_64] : memref<10240x16xf32, #tpu.memory_space<vmem_shared>> -> memref<80x16xf32, #tpu.memory_space<vmem_shared>>
      tpu.enqueue_dma source(%arg8 : memref<80x16xf32, #tpu.memory_space<vmem>>) target(%dma_start3A_65 : memref<80x16xf32, #tpu.memory_space<vmem_shared>>) target_semaphore(%run_scoped3A_61 : memref<!tpu.dma_semaphore, #tpu.memory_space<semaphore_mem>>)
      %dma_wait3A_66 = arith.constant 0 : i32
      %dma_wait3A_67 = tpu.memref_slice %arg12[%add3A_37, %dma_wait3A_66] : memref<10240x16xf32, #tpu.memory_space<vmem_shared>> -> memref<80x16xf32, #tpu.memory_space<vmem_shared>>
      %dma_wait3A_68 = arith.constant 0 : i32
      %dma_wait3A_69 = tpu.memref_slice %arg12[%add3A_37, %dma_wait3A_68] : memref<10240x16xf32, #tpu.memory_space<vmem_shared>> -> memref<80x16xf32, #tpu.memory_space<vmem_shared>>
      tpu.wait_dma2 semaphore(%run_scoped3A_61 : memref<!tpu.dma_semaphore, #tpu.memory_space<semaphore_mem>>) src(%arg8 : memref<80x16xf32, #tpu.memory_space<vmem>>) dst(%dma_wait3A_69 : memref<80x16xf32, #tpu.memory_space<vmem_shared>>)
      tpu.yield
    }) : () -> ()
    %barrier3A = arith.constant 0 : index
    tpu.barrier barrier_id(%barrier3A)
    %dma_start3A = arith.constant 0 : i32
    %dma_start3A_38 = arith.constant 0 : i32
    %dma_start3A_39 = tpu.memref_slice %arg6[%dma_start3A, %dma_start3A_38] : memref<125x80xi32, #tpu.memory_space<vmem>> -> memref<1x80xi32, #tpu.memory_space<vmem>>
    %dma_start3A_40 = tpu.memref_squeeze %dma_start3A_39 : memref<1x80xi32, #tpu.memory_space<vmem>> -> memref<80xi32, #tpu.memory_space<vmem>>
    %dma_start3A_41 = arith.constant 0 : i32
    %dma_start3A_42 = arith.constant 0 : i32
    %dma_start3A_43 = tpu.memref_slice %arg2[%dma_start3A_41, %dma_start3A_42] : memref<10000x16xf32, #tpu.memory_space<hbm>> -> memref<10000x16xf32, #tpu.memory_space<hbm>>
    tpu.enqueue_indirect_dma source(%dma_start3A_43 : memref<10000x16xf32, #tpu.memory_space<hbm>>) target(%arg8 : memref<80x16xf32, #tpu.memory_space<vmem>>) offsets(%dma_start3A_40 : memref<80xi32, #tpu.memory_space<vmem>>) semaphore(%arg10 : memref<!tpu.dma_semaphore, #tpu.memory_space<semaphore_mem>>)
    %scan3A_44 = arith.constant 0 : i32
    %scan3A_45 = arith.constant 0 : i32
    %scan3A_46 = arith.constant 62 : i32
    %scan3A_47 = arith.addi %scan3A_45, %scan3A_46 : i32
    %scan3A_48 = arith.constant 1 : i32
    scf.for %scan3A_61 = %scan3A_45 to %scan3A_47 step %scan3A_48  : i32 {
      %mul3A_62 = arith.constant 2 : i32
      %mul3A_63 = arith.muli %mul3A_62, %scan3A_61 : i32
      %add3A_64 = arith.constant 1 : i32
      %add3A_65 = arith.addi %mul3A_63, %add3A_64 : i32
      %dma_start3A_66 = arith.constant 0 : i32
      %dma_start3A_67 = tpu.memref_slice %arg6[%add3A_65, %dma_start3A_66] : memref<125x80xi32, #tpu.memory_space<vmem>> -> memref<1x80xi32, #tpu.memory_space<vmem>>
      %dma_start3A_68 = tpu.memref_squeeze %dma_start3A_67 : memref<1x80xi32, #tpu.memory_space<vmem>> -> memref<80xi32, #tpu.memory_space<vmem>>
      %dma_start3A_69 = arith.constant 0 : i32
      %dma_start3A_70 = arith.constant 0 : i32
      %dma_start3A_71 = tpu.memref_slice %arg2[%dma_start3A_69, %dma_start3A_70] : memref<10000x16xf32, #tpu.memory_space<hbm>> -> memref<10000x16xf32, #tpu.memory_space<hbm>>
      tpu.enqueue_indirect_dma source(%dma_start3A_71 : memref<10000x16xf32, #tpu.memory_space<hbm>>) target(%arg9 : memref<80x16xf32, #tpu.memory_space<vmem>>) offsets(%dma_start3A_68 : memref<80xi32, #tpu.memory_space<vmem>>) semaphore(%arg11 : memref<!tpu.dma_semaphore, #tpu.memory_space<semaphore_mem>>)
      %dma_wait3A_72 = arith.constant 0 : i32
      %dma_wait3A_73 = tpu.memref_slice %arg6[%mul3A_63, %dma_wait3A_72] : memref<125x80xi32, #tpu.memory_space<vmem>> -> memref<1x80xi32, #tpu.memory_space<vmem>>
      %dma_wait3A_74 = tpu.memref_squeeze %dma_wait3A_73 : memref<1x80xi32, #tpu.memory_space<vmem>> -> memref<80xi32, #tpu.memory_space<vmem>>
      %dma_wait3A_75 = arith.constant 0 : i32
      %dma_wait3A_76 = arith.constant 0 : i32
      %dma_wait3A_77 = tpu.memref_slice %arg2[%dma_wait3A_75, %dma_wait3A_76] : memref<10000x16xf32, #tpu.memory_space<hbm>> -> memref<10000x16xf32, #tpu.memory_space<hbm>>
      tpu.wait_indirect_dma semaphore(%arg10 : memref<!tpu.dma_semaphore, #tpu.memory_space<semaphore_mem>>) src(%dma_wait3A_77 : memref<10000x16xf32, #tpu.memory_space<hbm>>) dst(%arg8 : memref<80x16xf32, #tpu.memory_space<vmem>>)
      "tpu.region"() ({
        %run_scoped3A_96 = tpu.sem_alloc : memref<!tpu.dma_semaphore, #tpu.memory_space<semaphore_mem>>
        %dma_start3A_97 = arith.constant 0 : i32
        %dma_start3A_98 = tpu.memref_slice %arg7[%mul3A_63, %dma_start3A_97] : memref<125x80xi32, #tpu.memory_space<vmem>> -> memref<1x80xi32, #tpu.memory_space<vmem>>
        %dma_start3A_99 = tpu.memref_squeeze %dma_start3A_98 : memref<1x80xi32, #tpu.memory_space<vmem>> -> memref<80xi32, #tpu.memory_space<vmem>>
        %dma_start3A_100 = arith.constant 0 : i32
        %dma_start3A_101 = arith.constant 0 : i32
        %dma_start3A_102 = tpu.memref_slice %arg12[%dma_start3A_100, %dma_start3A_101] : memref<10240x16xf32, #tpu.memory_space<vmem_shared>> -> memref<10240x16xf32, #tpu.memory_space<vmem_shared>>
        tpu.enqueue_indirect_dma source(%arg8 : memref<80x16xf32, #tpu.memory_space<vmem>>) target(%dma_start3A_102 : memref<10240x16xf32, #tpu.memory_space<vmem_shared>>) offsets(%dma_start3A_99 : memref<80xi32, #tpu.memory_space<vmem>>) semaphore(%run_scoped3A_96 : memref<!tpu.dma_semaphore, #tpu.memory_space<semaphore_mem>>) {add = true}
        %dma_wait3A_103 = arith.constant 0 : i32
        %dma_wait3A_104 = tpu.memref_slice %arg7[%mul3A_63, %dma_wait3A_103] : memref<125x80xi32, #tpu.memory_space<vmem>> -> memref<1x80xi32, #tpu.memory_space<vmem>>
        %dma_wait3A_105 = tpu.memref_squeeze %dma_wait3A_104 : memref<1x80xi32, #tpu.memory_space<vmem>> -> memref<80xi32, #tpu.memory_space<vmem>>
        %dma_wait3A_106 = arith.constant 0 : i32
        %dma_wait3A_107 = arith.constant 0 : i32
        %dma_wait3A_108 = tpu.memref_slice %arg12[%dma_wait3A_106, %dma_wait3A_107] : memref<10240x16xf32, #tpu.memory_space<vmem_shared>> -> memref<10240x16xf32, #tpu.memory_space<vmem_shared>>
        tpu.wait_indirect_dma semaphore(%run_scoped3A_96 : memref<!tpu.dma_semaphore, #tpu.memory_space<semaphore_mem>>) src(%arg8 : memref<80x16xf32, #tpu.memory_space<vmem>>) dst(%dma_wait3A_108 : memref<10240x16xf32, #tpu.memory_space<vmem_shared>>)
        tpu.yield
      }) : () -> ()
      %add3A_78 = arith.constant 2 : i32
      %add3A_79 = arith.addi %mul3A_63, %add3A_78 : i32
      %dma_start3A_80 = arith.constant 0 : i32
      %dma_start3A_81 = tpu.memref_slice %arg6[%add3A_79, %dma_start3A_80] : memref<125x80xi32, #tpu.memory_space<vmem>> -> memref<1x80xi32, #tpu.memory_space<vmem>>
      %dma_start3A_82 = tpu.memref_squeeze %dma_start3A_81 : memref<1x80xi32, #tpu.memory_space<vmem>> -> memref<80xi32, #tpu.memory_space<vmem>>
      %dma_start3A_83 = arith.constant 0 : i32
      %dma_start3A_84 = arith.constant 0 : i32
      %dma_start3A_85 = tpu.memref_slice %arg2[%dma_start3A_83, %dma_start3A_84] : memref<10000x16xf32, #tpu.memory_space<hbm>> -> memref<10000x16xf32, #tpu.memory_space<hbm>>
      tpu.enqueue_indirect_dma source(%dma_start3A_85 : memref<10000x16xf32, #tpu.memory_space<hbm>>) target(%arg8 : memref<80x16xf32, #tpu.memory_space<vmem>>) offsets(%dma_start3A_82 : memref<80xi32, #tpu.memory_space<vmem>>) semaphore(%arg10 : memref<!tpu.dma_semaphore, #tpu.memory_space<semaphore_mem>>)
      %add3A_86 = arith.constant 1 : i32
      %add3A_87 = arith.addi %mul3A_63, %add3A_86 : i32
      %dma_wait3A_88 = arith.constant 0 : i32
      %dma_wait3A_89 = tpu.memref_slice %arg6[%add3A_87, %dma_wait3A_88] : memref<125x80xi32, #tpu.memory_space<vmem>> -> memref<1x80xi32, #tpu.memory_space<vmem>>
      %dma_wait3A_90 = tpu.memref_squeeze %dma_wait3A_89 : memref<1x80xi32, #tpu.memory_space<vmem>> -> memref<80xi32, #tpu.memory_space<vmem>>
      %dma_wait3A_91 = arith.constant 0 : i32
      %dma_wait3A_92 = arith.constant 0 : i32
      %dma_wait3A_93 = tpu.memref_slice %arg2[%dma_wait3A_91, %dma_wait3A_92] : memref<10000x16xf32, #tpu.memory_space<hbm>> -> memref<10000x16xf32, #tpu.memory_space<hbm>>
      tpu.wait_indirect_dma semaphore(%arg11 : memref<!tpu.dma_semaphore, #tpu.memory_space<semaphore_mem>>) src(%dma_wait3A_93 : memref<10000x16xf32, #tpu.memory_space<hbm>>) dst(%arg9 : memref<80x16xf32, #tpu.memory_space<vmem>>)
      %add3A_94 = arith.constant 1 : i32
      %add3A_95 = arith.addi %mul3A_63, %add3A_94 : i32
      "tpu.region"() ({
        %run_scoped3A_96 = tpu.sem_alloc : memref<!tpu.dma_semaphore, #tpu.memory_space<semaphore_mem>>
        %dma_start3A_97 = arith.constant 0 : i32
        %dma_start3A_98 = tpu.memref_slice %arg7[%add3A_95, %dma_start3A_97] : memref<125x80xi32, #tpu.memory_space<vmem>> -> memref<1x80xi32, #tpu.memory_space<vmem>>
        %dma_start3A_99 = tpu.memref_squeeze %dma_start3A_98 : memref<1x80xi32, #tpu.memory_space<vmem>> -> memref<80xi32, #tpu.memory_space<vmem>>
        %dma_start3A_100 = arith.constant 0 : i32
        %dma_start3A_101 = arith.constant 0 : i32
        %dma_start3A_102 = tpu.memref_slice %arg12[%dma_start3A_100, %dma_start3A_101] : memref<10240x16xf32, #tpu.memory_space<vmem_shared>> -> memref<10240x16xf32, #tpu.memory_space<vmem_shared>>
        tpu.enqueue_indirect_dma source(%arg9 : memref<80x16xf32, #tpu.memory_space<vmem>>) target(%dma_start3A_102 : memref<10240x16xf32, #tpu.memory_space<vmem_shared>>) offsets(%dma_start3A_99 : memref<80xi32, #tpu.memory_space<vmem>>) semaphore(%run_scoped3A_96 : memref<!tpu.dma_semaphore, #tpu.memory_space<semaphore_mem>>) {add = true}
        %dma_wait3A_103 = arith.constant 0 : i32
        %dma_wait3A_104 = tpu.memref_slice %arg7[%add3A_95, %dma_wait3A_103] : memref<125x80xi32, #tpu.memory_space<vmem>> -> memref<1x80xi32, #tpu.memory_space<vmem>>
        %dma_wait3A_105 = tpu.memref_squeeze %dma_wait3A_104 : memref<1x80xi32, #tpu.memory_space<vmem>> -> memref<80xi32, #tpu.memory_space<vmem>>
        %dma_wait3A_106 = arith.constant 0 : i32
        %dma_wait3A_107 = arith.constant 0 : i32
        %dma_wait3A_108 = tpu.memref_slice %arg12[%dma_wait3A_106, %dma_wait3A_107] : memref<10240x16xf32, #tpu.memory_space<vmem_shared>> -> memref<10240x16xf32, #tpu.memory_space<vmem_shared>>
        tpu.wait_indirect_dma semaphore(%run_scoped3A_96 : memref<!tpu.dma_semaphore, #tpu.memory_space<semaphore_mem>>) src(%arg9 : memref<80x16xf32, #tpu.memory_space<vmem>>) dst(%dma_wait3A_108 : memref<10240x16xf32, #tpu.memory_space<vmem_shared>>)
        tpu.yield
      }) : () -> ()
    }
    %scan3A_49 = arith.constant 62 : i32
    %dma_wait3A = arith.constant 124 : i32
    %dma_wait3A_50 = arith.constant 0 : i32
    %dma_wait3A_51 = tpu.memref_slice %arg6[%dma_wait3A, %dma_wait3A_50] : memref<125x80xi32, #tpu.memory_space<vmem>> -> memref<1x80xi32, #tpu.memory_space<vmem>>
    %dma_wait3A_52 = tpu.memref_squeeze %dma_wait3A_51 : memref<1x80xi32, #tpu.memory_space<vmem>> -> memref<80xi32, #tpu.memory_space<vmem>>
    %dma_wait3A_53 = arith.constant 0 : i32
    %dma_wait3A_54 = arith.constant 0 : i32
    %dma_wait3A_55 = tpu.memref_slice %arg2[%dma_wait3A_53, %dma_wait3A_54] : memref<10000x16xf32, #tpu.memory_space<hbm>> -> memref<10000x16xf32, #tpu.memory_space<hbm>>
    tpu.wait_indirect_dma semaphore(%arg10 : memref<!tpu.dma_semaphore, #tpu.memory_space<semaphore_mem>>) src(%dma_wait3A_55 : memref<10000x16xf32, #tpu.memory_space<hbm>>) dst(%arg8 : memref<80x16xf32, #tpu.memory_space<vmem>>)
    %run_scoped3A = arith.constant 124 : i32
    "tpu.region"() ({
      %run_scoped3A_61 = tpu.sem_alloc : memref<!tpu.dma_semaphore, #tpu.memory_space<semaphore_mem>>
      %dma_start3A_62 = arith.constant 0 : i32
      %dma_start3A_63 = tpu.memref_slice %arg7[%run_scoped3A, %dma_start3A_62] : memref<125x80xi32, #tpu.memory_space<vmem>> -> memref<1x80xi32, #tpu.memory_space<vmem>>
      %dma_start3A_64 = tpu.memref_squeeze %dma_start3A_63 : memref<1x80xi32, #tpu.memory_space<vmem>> -> memref<80xi32, #tpu.memory_space<vmem>>
      %dma_start3A_65 = arith.constant 0 : i32
      %dma_start3A_66 = arith.constant 0 : i32
      %dma_start3A_67 = tpu.memref_slice %arg12[%dma_start3A_65, %dma_start3A_66] : memref<10240x16xf32, #tpu.memory_space<vmem_shared>> -> memref<10240x16xf32, #tpu.memory_space<vmem_shared>>
      tpu.enqueue_indirect_dma source(%arg8 : memref<80x16xf32, #tpu.memory_space<vmem>>) target(%dma_start3A_67 : memref<10240x16xf32, #tpu.memory_space<vmem_shared>>) offsets(%dma_start3A_64 : memref<80xi32, #tpu.memory_space<vmem>>) semaphore(%run_scoped3A_61 : memref<!tpu.dma_semaphore, #tpu.memory_space<semaphore_mem>>) {add = true}
      %dma_wait3A_68 = arith.constant 0 : i32
      %dma_wait3A_69 = tpu.memref_slice %arg7[%run_scoped3A, %dma_wait3A_68] : memref<125x80xi32, #tpu.memory_space<vmem>> -> memref<1x80xi32, #tpu.memory_space<vmem>>
      %dma_wait3A_70 = tpu.memref_squeeze %dma_wait3A_69 : memref<1x80xi32, #tpu.memory_space<vmem>> -> memref<80xi32, #tpu.memory_space<vmem>>
      %dma_wait3A_71 = arith.constant 0 : i32
      %dma_wait3A_72 = arith.constant 0 : i32
      %dma_wait3A_73 = tpu.memref_slice %arg12[%dma_wait3A_71, %dma_wait3A_72] : memref<10240x16xf32, #tpu.memory_space<vmem_shared>> -> memref<10240x16xf32, #tpu.memory_space<vmem_shared>>
      tpu.wait_indirect_dma semaphore(%run_scoped3A_61 : memref<!tpu.dma_semaphore, #tpu.memory_space<semaphore_mem>>) src(%arg8 : memref<80x16xf32, #tpu.memory_space<vmem>>) dst(%dma_wait3A_73 : memref<10240x16xf32, #tpu.memory_space<vmem_shared>>)
      tpu.yield
    }) : () -> ()
    %barrier3A_56 = arith.constant 0 : index
    tpu.barrier barrier_id(%barrier3A_56)
    %mul3A_57 = arith.constant 640 : i32
    %mul3A_58 = arith.muli %arg1, %mul3A_57 : i32
    %mul3A_59 = arith.constant 640 : i32
    %mul3A_60 = arith.muli %arg1, %mul3A_59 : i32
    "tpu.region"() ({
      %run_scoped3A_61 = tpu.sem_alloc : memref<!tpu.dma_semaphore, #tpu.memory_space<semaphore_mem>>
      %dma_start3A_62 = arith.constant 0 : i32
      %dma_start3A_63 = tpu.memref_slice %arg5[%arg0, %mul3A_60, %dma_start3A_62] : memref<2x10240x16xf32, #tpu.memory_space<hbm>> -> memref<1x640x16xf32, #tpu.memory_space<hbm>>
      %dma_start3A_64 = tpu.memref_squeeze %dma_start3A_63 : memref<1x640x16xf32, #tpu.memory_space<hbm>> -> memref<640x16xf32, #tpu.memory_space<hbm>>
      %dma_start3A_65 = arith.constant 0 : i32
      %dma_start3A_66 = tpu.memref_slice %arg12[%mul3A_58, %dma_start3A_65] : memref<10240x16xf32, #tpu.memory_space<vmem_shared>> -> memref<640x16xf32, #tpu.memory_space<vmem_shared>>
      tpu.enqueue_dma source(%dma_start3A_66 : memref<640x16xf32, #tpu.memory_space<vmem_shared>>) target(%dma_start3A_64 : memref<640x16xf32, #tpu.memory_space<hbm>>) target_semaphore(%run_scoped3A_61 : memref<!tpu.dma_semaphore, #tpu.memory_space<semaphore_mem>>)
      %dma_wait3A_67 = arith.constant 0 : i32
      %dma_wait3A_68 = tpu.memref_slice %arg5[%arg0, %mul3A_60, %dma_wait3A_67] : memref<2x10240x16xf32, #tpu.memory_space<hbm>> -> memref<1x640x16xf32, #tpu.memory_space<hbm>>
      %dma_wait3A_69 = tpu.memref_squeeze %dma_wait3A_68 : memref<1x640x16xf32, #tpu.memory_space<hbm>> -> memref<640x16xf32, #tpu.memory_space<hbm>>
      %dma_wait3A_70 = arith.constant 0 : i32
      %dma_wait3A_71 = tpu.memref_slice %arg12[%mul3A_58, %dma_wait3A_70] : memref<10240x16xf32, #tpu.memory_space<vmem_shared>> -> memref<640x16xf32, #tpu.memory_space<vmem_shared>>
      tpu.wait_dma2 semaphore(%run_scoped3A_61 : memref<!tpu.dma_semaphore, #tpu.memory_space<semaphore_mem>>) src(%dma_wait3A_71 : memref<640x16xf32, #tpu.memory_space<vmem_shared>>) dst(%dma_wait3A_69 : memref<640x16xf32, #tpu.memory_space<hbm>>)
      tpu.yield
    }) : () -> ()
    return
  }
}

module attributes {stable_mosaic.version = 14 : i64} {
  func.func @_tca_body(%arg0: memref<1250x1024xf32, #tpu.memory_space<vmem>>, %arg1: memref<1024x128xf32, #tpu.memory_space<vmem>>, %arg2: memref<2x1280x128xf32, #tpu.memory_space<vmem>>, %arg3: memref<1250x128xf32, #tpu.memory_space<vmem>>) attributes {dimension_semantics = [], scalar_prefetch = 0 : i64, scratch_operands = 0 : i64, tpu.core_type = #tpu.core_type<tc>} {
    %get3A = arith.constant 0 : index
    %get3A_0 = arith.constant 0 : index
    %get3A_1 = arith.constant 0 : index
    %get3A_2 = vector.load %arg2[%get3A, %get3A_0, %get3A_1] : memref<2x1280x128xf32, #tpu.memory_space<vmem>>, vector<1x1250x128xf32>
    %get3A_3 = vector.shape_cast %get3A_2 : vector<1x1250x128xf32> to vector<1250x128xf32>
    %get3A_4 = arith.constant 1 : index
    %get3A_5 = arith.constant 0 : index
    %get3A_6 = arith.constant 0 : index
    %get3A_7 = vector.load %arg2[%get3A_4, %get3A_5, %get3A_6] : memref<2x1280x128xf32, #tpu.memory_space<vmem>>, vector<1x1250x128xf32>
    %get3A_8 = vector.shape_cast %get3A_7 : vector<1x1250x128xf32> to vector<1250x128xf32>
    %add3A = arith.addf %get3A_3, %get3A_8 : vector<1250x128xf32>
    %add3A_9 = arith.constant 1.000000e+00 : f32
    %add3A_10 = vector.broadcast %add3A_9 : f32 to vector<1250x128xf32>
    %add3A_11 = arith.addf %add3A, %add3A_10 : vector<1250x128xf32>
    %get3A_12 = arith.constant 0 : index
    %get3A_13 = arith.constant 0 : index
    %get3A_14 = vector.load %arg0[%get3A_12, %get3A_13] : memref<1250x1024xf32, #tpu.memory_space<vmem>>, vector<1250x1024xf32>
    %get3A_15 = arith.constant 0 : index
    %get3A_16 = arith.constant 0 : index
    %get3A_17 = vector.load %arg1[%get3A_15, %get3A_16] : memref<1024x128xf32, #tpu.memory_space<vmem>>, vector<1024x128xf32>
    %dot_general3A = arith.constant dense<0.000000e+00> : vector<1250x128xf32>
    %dot_general3A_18 = tpu.matmul %get3A_14, %get3A_17, %dot_general3A {dimension_numbers = #tpu.dot_dimension_numbers<[1], [0], [0], [1], [0, 0, 1, 1], [], []>, transpose_lhs_hint = false} : vector<1250x1024xf32>, vector<1024x128xf32>, vector<1250x128xf32> -> vector<1250x128xf32>
    %rsqrt3A = math.rsqrt %add3A_11 : vector<1250x128xf32>
    %mul3A = arith.mulf %dot_general3A_18, %rsqrt3A : vector<1250x128xf32>
    %swap3A = arith.constant 0 : index
    %swap3A_19 = arith.constant 0 : index
    %swap3A_20 = vector.load %arg3[%swap3A, %swap3A_19] : memref<1250x128xf32, #tpu.memory_space<vmem>>, vector<1250x128xf32>
    tpu.vector_store %arg3[%swap3A, %swap3A_19], %mul3A {strides = array<i32>} : memref<1250x128xf32, #tpu.memory_space<vmem>>, vector<1250x128xf32>,
    return
  }
}

module attributes {stable_mosaic.version = 14 : i64} {
  func.func @_tcb_body(%arg0: memref<2x1280x128xf32, #tpu.memory_space<vmem>>, %arg1: memref<2x1280x128xf32, #tpu.memory_space<vmem>>, %arg2: memref<1250x128xf32, #tpu.memory_space<vmem>>, %arg3: memref<1x128xf32, #tpu.memory_space<vmem>>, %arg4: memref<1250x128xf32, #tpu.memory_space<vmem>>) attributes {dimension_semantics = [], scalar_prefetch = 0 : i64, scratch_operands = 0 : i64, tpu.core_type = #tpu.core_type<tc>} {
    %get3A = arith.constant 0 : index
    %get3A_0 = arith.constant 0 : index
    %get3A_1 = arith.constant 0 : index
    %get3A_2 = vector.load %arg0[%get3A, %get3A_0, %get3A_1] : memref<2x1280x128xf32, #tpu.memory_space<vmem>>, vector<1x1250x128xf32>
    %get3A_3 = vector.shape_cast %get3A_2 : vector<1x1250x128xf32> to vector<1250x128xf32>
    %get3A_4 = arith.constant 1 : index
    %get3A_5 = arith.constant 0 : index
    %get3A_6 = arith.constant 0 : index
    %get3A_7 = vector.load %arg0[%get3A_4, %get3A_5, %get3A_6] : memref<2x1280x128xf32, #tpu.memory_space<vmem>>, vector<1x1250x128xf32>
    %get3A_8 = vector.shape_cast %get3A_7 : vector<1x1250x128xf32> to vector<1250x128xf32>
    %add3A = arith.addf %get3A_3, %get3A_8 : vector<1250x128xf32>
    %add3A_9 = arith.constant 1.000000e+00 : f32
    %add3A_10 = vector.broadcast %add3A_9 : f32 to vector<1250x128xf32>
    %add3A_11 = arith.addf %add3A, %add3A_10 : vector<1250x128xf32>
    %rsqrt3A = math.rsqrt %add3A_11 : vector<1250x128xf32>
    %get3A_12 = arith.constant 0 : index
    %get3A_13 = arith.constant 0 : index
    %get3A_14 = arith.constant 0 : index
    %get3A_15 = vector.load %arg1[%get3A_12, %get3A_13, %get3A_14] : memref<2x1280x128xf32, #tpu.memory_space<vmem>>, vector<1x1250x128xf32>
    %get3A_16 = vector.shape_cast %get3A_15 : vector<1x1250x128xf32> to vector<1250x128xf32>
    %get3A_17 = arith.constant 1 : index
    %get3A_18 = arith.constant 0 : index
    %get3A_19 = arith.constant 0 : index
    %get3A_20 = vector.load %arg1[%get3A_17, %get3A_18, %get3A_19] : memref<2x1280x128xf32, #tpu.memory_space<vmem>>, vector<1x1250x128xf32>
    %get3A_21 = vector.shape_cast %get3A_20 : vector<1x1250x128xf32> to vector<1250x128xf32>
    %add3A_22 = arith.addf %get3A_16, %get3A_21 : vector<1250x128xf32>
    %get3A_23 = arith.constant 0 : index
    %get3A_24 = arith.constant 0 : index
    %get3A_25 = vector.load %arg2[%get3A_23, %get3A_24] : memref<1250x128xf32, #tpu.memory_space<vmem>>, vector<1250x128xf32>
    %add3A_26 = arith.addf %add3A_22, %get3A_25 : vector<1250x128xf32>
    %mul3A = arith.mulf %add3A_26, %rsqrt3A : vector<1250x128xf32>
    %get3A_27 = arith.constant 0 : index
    %get3A_28 = arith.constant 0 : index
    %get3A_29 = vector.load %arg3[%get3A_27, %get3A_28] : memref<1x128xf32, #tpu.memory_space<vmem>>, vector<1x128xf32>
    %add3A_30 = vector.broadcast %get3A_29 : vector<1x128xf32> to vector<1250x128xf32>
    %add3A_31 = arith.addf %mul3A, %add3A_30 : vector<1250x128xf32>
    %max3A = arith.constant 0.000000e+00 : f32
    %max3A_32 = vector.broadcast %max3A : f32 to vector<1250x128xf32>
    %max3A_33 = arith.maximumf %add3A_31, %max3A_32 : vector<1250x128xf32>
    %mul3A_34 = arith.mulf %max3A_33, %rsqrt3A : vector<1250x128xf32>
    %swap3A = arith.constant 0 : index
    %swap3A_35 = arith.constant 0 : index
    %swap3A_36 = vector.load %arg4[%swap3A, %swap3A_35] : memref<1250x128xf32, #tpu.memory_space<vmem>>, vector<1250x128xf32>
    tpu.vector_store %arg4[%swap3A, %swap3A_35], %mul3A_34 {strides = array<i32>} : memref<1250x128xf32, #tpu.memory_space<vmem>>, vector<1250x128xf32>,
    return
  }
}

module attributes {stable_mosaic.version = 14 : i64} {
  func.func @_tcc_body(%arg0: memref<2x1280x128xf32, #tpu.memory_space<vmem>>, %arg1: memref<2x1280x128xf32, #tpu.memory_space<vmem>>, %arg2: memref<1250x128xf32, #tpu.memory_space<vmem>>, %arg3: memref<16x64xf32, #tpu.memory_space<vmem>>, %arg4: memref<1x64xf32, #tpu.memory_space<vmem>>, %arg5: memref<1250x8x64xf32, #tpu.memory_space<vmem>>) attributes {dimension_semantics = [], scalar_prefetch = 0 : i64, scratch_operands = 0 : i64, tpu.core_type = #tpu.core_type<tc>} {
    %get3A = arith.constant 0 : index
    %get3A_0 = arith.constant 0 : index
    %get3A_1 = arith.constant 0 : index
    %get3A_2 = vector.load %arg0[%get3A, %get3A_0, %get3A_1] : memref<2x1280x128xf32, #tpu.memory_space<vmem>>, vector<1x1250x128xf32>
    %get3A_3 = vector.shape_cast %get3A_2 : vector<1x1250x128xf32> to vector<1250x128xf32>
    %get3A_4 = arith.constant 1 : index
    %get3A_5 = arith.constant 0 : index
    %get3A_6 = arith.constant 0 : index
    %get3A_7 = vector.load %arg0[%get3A_4, %get3A_5, %get3A_6] : memref<2x1280x128xf32, #tpu.memory_space<vmem>>, vector<1x1250x128xf32>
    %get3A_8 = vector.shape_cast %get3A_7 : vector<1x1250x128xf32> to vector<1250x128xf32>
    %add3A = arith.addf %get3A_3, %get3A_8 : vector<1250x128xf32>
    %add3A_9 = arith.constant 1.000000e+00 : f32
    %add3A_10 = vector.broadcast %add3A_9 : f32 to vector<1250x128xf32>
    %add3A_11 = arith.addf %add3A, %add3A_10 : vector<1250x128xf32>
    %rsqrt3A = math.rsqrt %add3A_11 : vector<1250x128xf32>
    %get3A_12 = arith.constant 0 : index
    %get3A_13 = arith.constant 0 : index
    %get3A_14 = arith.constant 0 : index
    %get3A_15 = vector.load %arg1[%get3A_12, %get3A_13, %get3A_14] : memref<2x1280x128xf32, #tpu.memory_space<vmem>>, vector<1x1250x128xf32>
    %get3A_16 = vector.shape_cast %get3A_15 : vector<1x1250x128xf32> to vector<1250x128xf32>
    %get3A_17 = arith.constant 1 : index
    %get3A_18 = arith.constant 0 : index
    %get3A_19 = arith.constant 0 : index
    %get3A_20 = vector.load %arg1[%get3A_17, %get3A_18, %get3A_19] : memref<2x1280x128xf32, #tpu.memory_space<vmem>>, vector<1x1250x128xf32>
    %get3A_21 = vector.shape_cast %get3A_20 : vector<1x1250x128xf32> to vector<1250x128xf32>
    %add3A_22 = arith.addf %get3A_16, %get3A_21 : vector<1250x128xf32>
    %get3A_23 = arith.constant 0 : index
    %get3A_24 = arith.constant 0 : index
    %get3A_25 = vector.load %arg2[%get3A_23, %get3A_24] : memref<1250x128xf32, #tpu.memory_space<vmem>>, vector<1250x128xf32>
    %add3A_26 = arith.addf %add3A_22, %get3A_25 : vector<1250x128xf32>
    %mul3A = arith.mulf %add3A_26, %rsqrt3A : vector<1250x128xf32>
    %slice3A = vector.extract_strided_slice %mul3A {offsets = [0, 0], sizes = [1250, 16], strides = [1, 1]} : vector<1250x128xf32> to vector<1250x16xf32>
    %get3A_27 = arith.constant 0 : index
    %get3A_28 = arith.constant 0 : index
    %get3A_29 = vector.load %arg3[%get3A_27, %get3A_28] : memref<16x64xf32, #tpu.memory_space<vmem>>, vector<16x64xf32>
    %dot_general3A = arith.constant dense<0.000000e+00> : vector<1250x64xf32>
    %dot_general3A_30 = tpu.matmul %slice3A, %get3A_29, %dot_general3A {dimension_numbers = #tpu.dot_dimension_numbers<[1], [0], [0], [1], [0, 0, 1, 1], [], []>, transpose_lhs_hint = false} : vector<1250x16xf32>, vector<16x64xf32>, vector<1250x64xf32> -> vector<1250x64xf32>
    %get3A_31 = arith.constant 0 : index
    %get3A_32 = arith.constant 0 : index
    %get3A_33 = vector.load %arg4[%get3A_31, %get3A_32] : memref<1x64xf32, #tpu.memory_space<vmem>>, vector<1x64xf32>
    %add3A_34 = vector.broadcast %get3A_33 : vector<1x64xf32> to vector<1250x64xf32>
    %add3A_35 = arith.addf %dot_general3A_30, %add3A_34 : vector<1250x64xf32>
    %reduce_max3A = arith.constant dense<0xFF800000> : vector<1250xf32>
    %reduce_max3A_36 = vector.multi_reduction <maximumf>, %add3A_35, %reduce_max3A [1] : vector<1250x64xf32> to vector<1250xf32>
    %broadcast_in_dim3A = vector.shape_cast %reduce_max3A_36 : vector<1250xf32> to vector<1250x1xf32>
    %sub3A = vector.broadcast %broadcast_in_dim3A : vector<1250x1xf32> to vector<1250x64xf32>
    %sub3A_37 = arith.subf %add3A_35, %sub3A : vector<1250x64xf32>
    %exp3A = math.exp %sub3A_37 : vector<1250x64xf32>
    %reduce_sum3A = arith.constant dense<0.000000e+00> : vector<1250xf32>
    %reduce_sum3A_38 = vector.multi_reduction <add>, %exp3A, %reduce_sum3A [1] : vector<1250x64xf32> to vector<1250xf32>
    %broadcast_in_dim3A_39 = vector.shape_cast %reduce_sum3A_38 : vector<1250xf32> to vector<1250x1xf32>
    %log3A = math.log %broadcast_in_dim3A_39 : vector<1250x1xf32>
    %add3A_40 = arith.addf %log3A, %broadcast_in_dim3A : vector<1250x1xf32>
    %sub3A_41 = vector.broadcast %add3A_40 : vector<1250x1xf32> to vector<1250x64xf32>
    %sub3A_42 = arith.subf %add3A_35, %sub3A_41 : vector<1250x64xf32>
    %swap3A = arith.constant 0 : index
    %swap3A_43 = arith.constant 0 : index
    %swap3A_44 = arith.constant 0 : index
    %swap3A_45 = vector.load %arg5[%swap3A, %swap3A_43, %swap3A_44] : memref<1250x8x64xf32, #tpu.memory_space<vmem>>, vector<1250x1x64xf32>
    %swap3A_46 = vector.shape_cast %swap3A_45 : vector<1250x1x64xf32> to vector<1250x64xf32>
    %swap3A_47 = vector.shape_cast %sub3A_42 : vector<1250x64xf32> to vector<1250x1x64xf32>
    tpu.vector_store %arg5[%swap3A, %swap3A_43, %swap3A_44], %swap3A_47 {strides = array<i32>} : memref<1250x8x64xf32, #tpu.memory_space<vmem>>, vector<1250x1x64xf32>,
    %slice3A_48 = vector.extract_strided_slice %mul3A {offsets = [0, 16], sizes = [1250, 16], strides = [1, 1]} : vector<1250x128xf32> to vector<1250x16xf32>
    %get3A_49 = arith.constant 0 : index
    %get3A_50 = arith.constant 0 : index
    %get3A_51 = vector.load %arg3[%get3A_49, %get3A_50] : memref<16x64xf32, #tpu.memory_space<vmem>>, vector<16x64xf32>
    %dot_general3A_52 = arith.constant dense<0.000000e+00> : vector<1250x64xf32>
    %dot_general3A_53 = tpu.matmul %slice3A_48, %get3A_51, %dot_general3A_52 {dimension_numbers = #tpu.dot_dimension_numbers<[1], [0], [0], [1], [0, 0, 1, 1], [], []>, transpose_lhs_hint = false} : vector<1250x16xf32>, vector<16x64xf32>, vector<1250x64xf32> -> vector<1250x64xf32>
    %get3A_54 = arith.constant 0 : index
    %get3A_55 = arith.constant 0 : index
    %get3A_56 = vector.load %arg4[%get3A_54, %get3A_55] : memref<1x64xf32, #tpu.memory_space<vmem>>, vector<1x64xf32>
    %add3A_57 = vector.broadcast %get3A_56 : vector<1x64xf32> to vector<1250x64xf32>
    %add3A_58 = arith.addf %dot_general3A_53, %add3A_57 : vector<1250x64xf32>
    %reduce_max3A_59 = arith.constant dense<0xFF800000> : vector<1250xf32>
    %reduce_max3A_60 = vector.multi_reduction <maximumf>, %add3A_58, %reduce_max3A_59 [1] : vector<1250x64xf32> to vector<1250xf32>
    %broadcast_in_dim3A_61 = vector.shape_cast %reduce_max3A_60 : vector<1250xf32> to vector<1250x1xf32>
    %sub3A_62 = vector.broadcast %broadcast_in_dim3A_61 : vector<1250x1xf32> to vector<1250x64xf32>
    %sub3A_63 = arith.subf %add3A_58, %sub3A_62 : vector<1250x64xf32>
    %exp3A_64 = math.exp %sub3A_63 : vector<1250x64xf32>
    %reduce_sum3A_65 = arith.constant dense<0.000000e+00> : vector<1250xf32>
    %reduce_sum3A_66 = vector.multi_reduction <add>, %exp3A_64, %reduce_sum3A_65 [1] : vector<1250x64xf32> to vector<1250xf32>
    %broadcast_in_dim3A_67 = vector.shape_cast %reduce_sum3A_66 : vector<1250xf32> to vector<1250x1xf32>
    %log3A_68 = math.log %broadcast_in_dim3A_67 : vector<1250x1xf32>
    %add3A_69 = arith.addf %log3A_68, %broadcast_in_dim3A_61 : vector<1250x1xf32>
    %sub3A_70 = vector.broadcast %add3A_69 : vector<1250x1xf32> to vector<1250x64xf32>
    %sub3A_71 = arith.subf %add3A_58, %sub3A_70 : vector<1250x64xf32>
    %swap3A_72 = arith.constant 0 : index
    %swap3A_73 = arith.constant 1 : index
    %swap3A_74 = arith.constant 0 : index
    %swap3A_75 = vector.load %arg5[%swap3A_72, %swap3A_73, %swap3A_74] : memref<1250x8x64xf32, #tpu.memory_space<vmem>>, vector<1250x1x64xf32>
    %swap3A_76 = vector.shape_cast %swap3A_75 : vector<1250x1x64xf32> to vector<1250x64xf32>
    %swap3A_77 = vector.shape_cast %sub3A_71 : vector<1250x64xf32> to vector<1250x1x64xf32>
    tpu.vector_store %arg5[%swap3A_72, %swap3A_73, %swap3A_74], %swap3A_77 {strides = array<i32>} : memref<1250x8x64xf32, #tpu.memory_space<vmem>>, vector<1250x1x64xf32>,
    %slice3A_78 = vector.extract_strided_slice %mul3A {offsets = [0, 32], sizes = [1250, 16], strides = [1, 1]} : vector<1250x128xf32> to vector<1250x16xf32>
    %get3A_79 = arith.constant 0 : index
    %get3A_80 = arith.constant 0 : index
    %get3A_81 = vector.load %arg3[%get3A_79, %get3A_80] : memref<16x64xf32, #tpu.memory_space<vmem>>, vector<16x64xf32>
    %dot_general3A_82 = arith.constant dense<0.000000e+00> : vector<1250x64xf32>
    %dot_general3A_83 = tpu.matmul %slice3A_78, %get3A_81, %dot_general3A_82 {dimension_numbers = #tpu.dot_dimension_numbers<[1], [0], [0], [1], [0, 0, 1, 1], [], []>, transpose_lhs_hint = false} : vector<1250x16xf32>, vector<16x64xf32>, vector<1250x64xf32> -> vector<1250x64xf32>
    %get3A_84 = arith.constant 0 : index
    %get3A_85 = arith.constant 0 : index
    %get3A_86 = vector.load %arg4[%get3A_84, %get3A_85] : memref<1x64xf32, #tpu.memory_space<vmem>>, vector<1x64xf32>
    %add3A_87 = vector.broadcast %get3A_86 : vector<1x64xf32> to vector<1250x64xf32>
    %add3A_88 = arith.addf %dot_general3A_83, %add3A_87 : vector<1250x64xf32>
    %reduce_max3A_89 = arith.constant dense<0xFF800000> : vector<1250xf32>
    %reduce_max3A_90 = vector.multi_reduction <maximumf>, %add3A_88, %reduce_max3A_89 [1] : vector<1250x64xf32> to vector<1250xf32>
    %broadcast_in_dim3A_91 = vector.shape_cast %reduce_max3A_90 : vector<1250xf32> to vector<1250x1xf32>
    %sub3A_92 = vector.broadcast %broadcast_in_dim3A_91 : vector<1250x1xf32> to vector<1250x64xf32>
    %sub3A_93 = arith.subf %add3A_88, %sub3A_92 : vector<1250x64xf32>
    %exp3A_94 = math.exp %sub3A_93 : vector<1250x64xf32>
    %reduce_sum3A_95 = arith.constant dense<0.000000e+00> : vector<1250xf32>
    %reduce_sum3A_96 = vector.multi_reduction <add>, %exp3A_94, %reduce_sum3A_95 [1] : vector<1250x64xf32> to vector<1250xf32>
    %broadcast_in_dim3A_97 = vector.shape_cast %reduce_sum3A_96 : vector<1250xf32> to vector<1250x1xf32>
    %log3A_98 = math.log %broadcast_in_dim3A_97 : vector<1250x1xf32>
    %add3A_99 = arith.addf %log3A_98, %broadcast_in_dim3A_91 : vector<1250x1xf32>
    %sub3A_100 = vector.broadcast %add3A_99 : vector<1250x1xf32> to vector<1250x64xf32>
    %sub3A_101 = arith.subf %add3A_88, %sub3A_100 : vector<1250x64xf32>
    %swap3A_102 = arith.constant 0 : index
    %swap3A_103 = arith.constant 2 : index
    %swap3A_104 = arith.constant 0 : index
    %swap3A_105 = vector.load %arg5[%swap3A_102, %swap3A_103, %swap3A_104] : memref<1250x8x64xf32, #tpu.memory_space<vmem>>, vector<1250x1x64xf32>
    %swap3A_106 = vector.shape_cast %swap3A_105 : vector<1250x1x64xf32> to vector<1250x64xf32>
    %swap3A_107 = vector.shape_cast %sub3A_101 : vector<1250x64xf32> to vector<1250x1x64xf32>
    tpu.vector_store %arg5[%swap3A_102, %swap3A_103, %swap3A_104], %swap3A_107 {strides = array<i32>} : memref<1250x8x64xf32, #tpu.memory_space<vmem>>, vector<1250x1x64xf32>,
    %slice3A_108 = vector.extract_strided_slice %mul3A {offsets = [0, 48], sizes = [1250, 16], strides = [1, 1]} : vector<1250x128xf32> to vector<1250x16xf32>
    %get3A_109 = arith.constant 0 : index
    %get3A_110 = arith.constant 0 : index
    %get3A_111 = vector.load %arg3[%get3A_109, %get3A_110] : memref<16x64xf32, #tpu.memory_space<vmem>>, vector<16x64xf32>
    %dot_general3A_112 = arith.constant dense<0.000000e+00> : vector<1250x64xf32>
    %dot_general3A_113 = tpu.matmul %slice3A_108, %get3A_111, %dot_general3A_112 {dimension_numbers = #tpu.dot_dimension_numbers<[1], [0], [0], [1], [0, 0, 1, 1], [], []>, transpose_lhs_hint = false} : vector<1250x16xf32>, vector<16x64xf32>, vector<1250x64xf32> -> vector<1250x64xf32>
    %get3A_114 = arith.constant 0 : index
    %get3A_115 = arith.constant 0 : index
    %get3A_116 = vector.load %arg4[%get3A_114, %get3A_115] : memref<1x64xf32, #tpu.memory_space<vmem>>, vector<1x64xf32>
    %add3A_117 = vector.broadcast %get3A_116 : vector<1x64xf32> to vector<1250x64xf32>
    %add3A_118 = arith.addf %dot_general3A_113, %add3A_117 : vector<1250x64xf32>
    %reduce_max3A_119 = arith.constant dense<0xFF800000> : vector<1250xf32>
    %reduce_max3A_120 = vector.multi_reduction <maximumf>, %add3A_118, %reduce_max3A_119 [1] : vector<1250x64xf32> to vector<1250xf32>
    %broadcast_in_dim3A_121 = vector.shape_cast %reduce_max3A_120 : vector<1250xf32> to vector<1250x1xf32>
    %sub3A_122 = vector.broadcast %broadcast_in_dim3A_121 : vector<1250x1xf32> to vector<1250x64xf32>
    %sub3A_123 = arith.subf %add3A_118, %sub3A_122 : vector<1250x64xf32>
    %exp3A_124 = math.exp %sub3A_123 : vector<1250x64xf32>
    %reduce_sum3A_125 = arith.constant dense<0.000000e+00> : vector<1250xf32>
    %reduce_sum3A_126 = vector.multi_reduction <add>, %exp3A_124, %reduce_sum3A_125 [1] : vector<1250x64xf32> to vector<1250xf32>
    %broadcast_in_dim3A_127 = vector.shape_cast %reduce_sum3A_126 : vector<1250xf32> to vector<1250x1xf32>
    %log3A_128 = math.log %broadcast_in_dim3A_127 : vector<1250x1xf32>
    %add3A_129 = arith.addf %log3A_128, %broadcast_in_dim3A_121 : vector<1250x1xf32>
    %sub3A_130 = vector.broadcast %add3A_129 : vector<1250x1xf32> to vector<1250x64xf32>
    %sub3A_131 = arith.subf %add3A_118, %sub3A_130 : vector<1250x64xf32>
    %swap3A_132 = arith.constant 0 : index
    %swap3A_133 = arith.constant 3 : index
    %swap3A_134 = arith.constant 0 : index
    %swap3A_135 = vector.load %arg5[%swap3A_132, %swap3A_133, %swap3A_134] : memref<1250x8x64xf32, #tpu.memory_space<vmem>>, vector<1250x1x64xf32>
    %swap3A_136 = vector.shape_cast %swap3A_135 : vector<1250x1x64xf32> to vector<1250x64xf32>
    %swap3A_137 = vector.shape_cast %sub3A_131 : vector<1250x64xf32> to vector<1250x1x64xf32>
    tpu.vector_store %arg5[%swap3A_132, %swap3A_133, %swap3A_134], %swap3A_137 {strides = array<i32>} : memref<1250x8x64xf32, #tpu.memory_space<vmem>>, vector<1250x1x64xf32>,
    %slice3A_138 = vector.extract_strided_slice %mul3A {offsets = [0, 64], sizes = [1250, 16], strides = [1, 1]} : vector<1250x128xf32> to vector<1250x16xf32>
    %get3A_139 = arith.constant 0 : index
    %get3A_140 = arith.constant 0 : index
    %get3A_141 = vector.load %arg3[%get3A_139, %get3A_140] : memref<16x64xf32, #tpu.memory_space<vmem>>, vector<16x64xf32>
    %dot_general3A_142 = arith.constant dense<0.000000e+00> : vector<1250x64xf32>
    %dot_general3A_143 = tpu.matmul %slice3A_138, %get3A_141, %dot_general3A_142 {dimension_numbers = #tpu.dot_dimension_numbers<[1], [0], [0], [1], [0, 0, 1, 1], [], []>, transpose_lhs_hint = false} : vector<1250x16xf32>, vector<16x64xf32>, vector<1250x64xf32> -> vector<1250x64xf32>
    %get3A_144 = arith.constant 0 : index
    %get3A_145 = arith.constant 0 : index
    %get3A_146 = vector.load %arg4[%get3A_144, %get3A_145] : memref<1x64xf32, #tpu.memory_space<vmem>>, vector<1x64xf32>
    %add3A_147 = vector.broadcast %get3A_146 : vector<1x64xf32> to vector<1250x64xf32>
    %add3A_148 = arith.addf %dot_general3A_143, %add3A_147 : vector<1250x64xf32>
    %reduce_max3A_149 = arith.constant dense<0xFF800000> : vector<1250xf32>
    %reduce_max3A_150 = vector.multi_reduction <maximumf>, %add3A_148, %reduce_max3A_149 [1] : vector<1250x64xf32> to vector<1250xf32>
    %broadcast_in_dim3A_151 = vector.shape_cast %reduce_max3A_150 : vector<1250xf32> to vector<1250x1xf32>
    %sub3A_152 = vector.broadcast %broadcast_in_dim3A_151 : vector<1250x1xf32> to vector<1250x64xf32>
    %sub3A_153 = arith.subf %add3A_148, %sub3A_152 : vector<1250x64xf32>
    %exp3A_154 = math.exp %sub3A_153 : vector<1250x64xf32>
    %reduce_sum3A_155 = arith.constant dense<0.000000e+00> : vector<1250xf32>
    %reduce_sum3A_156 = vector.multi_reduction <add>, %exp3A_154, %reduce_sum3A_155 [1] : vector<1250x64xf32> to vector<1250xf32>
    %broadcast_in_dim3A_157 = vector.shape_cast %reduce_sum3A_156 : vector<1250xf32> to vector<1250x1xf32>
    %log3A_158 = math.log %broadcast_in_dim3A_157 : vector<1250x1xf32>
    %add3A_159 = arith.addf %log3A_158, %broadcast_in_dim3A_151 : vector<1250x1xf32>
    %sub3A_160 = vector.broadcast %add3A_159 : vector<1250x1xf32> to vector<1250x64xf32>
    %sub3A_161 = arith.subf %add3A_148, %sub3A_160 : vector<1250x64xf32>
    %swap3A_162 = arith.constant 0 : index
    %swap3A_163 = arith.constant 4 : index
    %swap3A_164 = arith.constant 0 : index
    %swap3A_165 = vector.load %arg5[%swap3A_162, %swap3A_163, %swap3A_164] : memref<1250x8x64xf32, #tpu.memory_space<vmem>>, vector<1250x1x64xf32>
    %swap3A_166 = vector.shape_cast %swap3A_165 : vector<1250x1x64xf32> to vector<1250x64xf32>
    %swap3A_167 = vector.shape_cast %sub3A_161 : vector<1250x64xf32> to vector<1250x1x64xf32>
    tpu.vector_store %arg5[%swap3A_162, %swap3A_163, %swap3A_164], %swap3A_167 {strides = array<i32>} : memref<1250x8x64xf32, #tpu.memory_space<vmem>>, vector<1250x1x64xf32>,
    %slice3A_168 = vector.extract_strided_slice %mul3A {offsets = [0, 80], sizes = [1250, 16], strides = [1, 1]} : vector<1250x128xf32> to vector<1250x16xf32>
    %get3A_169 = arith.constant 0 : index
    %get3A_170 = arith.constant 0 : index
    %get3A_171 = vector.load %arg3[%get3A_169, %get3A_170] : memref<16x64xf32, #tpu.memory_space<vmem>>, vector<16x64xf32>
    %dot_general3A_172 = arith.constant dense<0.000000e+00> : vector<1250x64xf32>
    %dot_general3A_173 = tpu.matmul %slice3A_168, %get3A_171, %dot_general3A_172 {dimension_numbers = #tpu.dot_dimension_numbers<[1], [0], [0], [1], [0, 0, 1, 1], [], []>, transpose_lhs_hint = false} : vector<1250x16xf32>, vector<16x64xf32>, vector<1250x64xf32> -> vector<1250x64xf32>
    %get3A_174 = arith.constant 0 : index
    %get3A_175 = arith.constant 0 : index
    %get3A_176 = vector.load %arg4[%get3A_174, %get3A_175] : memref<1x64xf32, #tpu.memory_space<vmem>>, vector<1x64xf32>
    %add3A_177 = vector.broadcast %get3A_176 : vector<1x64xf32> to vector<1250x64xf32>
    %add3A_178 = arith.addf %dot_general3A_173, %add3A_177 : vector<1250x64xf32>
    %reduce_max3A_179 = arith.constant dense<0xFF800000> : vector<1250xf32>
    %reduce_max3A_180 = vector.multi_reduction <maximumf>, %add3A_178, %reduce_max3A_179 [1] : vector<1250x64xf32> to vector<1250xf32>
    %broadcast_in_dim3A_181 = vector.shape_cast %reduce_max3A_180 : vector<1250xf32> to vector<1250x1xf32>
    %sub3A_182 = vector.broadcast %broadcast_in_dim3A_181 : vector<1250x1xf32> to vector<1250x64xf32>
    %sub3A_183 = arith.subf %add3A_178, %sub3A_182 : vector<1250x64xf32>
    %exp3A_184 = math.exp %sub3A_183 : vector<1250x64xf32>
    %reduce_sum3A_185 = arith.constant dense<0.000000e+00> : vector<1250xf32>
    %reduce_sum3A_186 = vector.multi_reduction <add>, %exp3A_184, %reduce_sum3A_185 [1] : vector<1250x64xf32> to vector<1250xf32>
    %broadcast_in_dim3A_187 = vector.shape_cast %reduce_sum3A_186 : vector<1250xf32> to vector<1250x1xf32>
    %log3A_188 = math.log %broadcast_in_dim3A_187 : vector<1250x1xf32>
    %add3A_189 = arith.addf %log3A_188, %broadcast_in_dim3A_181 : vector<1250x1xf32>
    %sub3A_190 = vector.broadcast %add3A_189 : vector<1250x1xf32> to vector<1250x64xf32>
    %sub3A_191 = arith.subf %add3A_178, %sub3A_190 : vector<1250x64xf32>
    %swap3A_192 = arith.constant 0 : index
    %swap3A_193 = arith.constant 5 : index
    %swap3A_194 = arith.constant 0 : index
    %swap3A_195 = vector.load %arg5[%swap3A_192, %swap3A_193, %swap3A_194] : memref<1250x8x64xf32, #tpu.memory_space<vmem>>, vector<1250x1x64xf32>
    %swap3A_196 = vector.shape_cast %swap3A_195 : vector<1250x1x64xf32> to vector<1250x64xf32>
    %swap3A_197 = vector.shape_cast %sub3A_191 : vector<1250x64xf32> to vector<1250x1x64xf32>
    tpu.vector_store %arg5[%swap3A_192, %swap3A_193, %swap3A_194], %swap3A_197 {strides = array<i32>} : memref<1250x8x64xf32, #tpu.memory_space<vmem>>, vector<1250x1x64xf32>,
    %slice3A_198 = vector.extract_strided_slice %mul3A {offsets = [0, 96], sizes = [1250, 16], strides = [1, 1]} : vector<1250x128xf32> to vector<1250x16xf32>
    %get3A_199 = arith.constant 0 : index
    %get3A_200 = arith.constant 0 : index
    %get3A_201 = vector.load %arg3[%get3A_199, %get3A_200] : memref<16x64xf32, #tpu.memory_space<vmem>>, vector<16x64xf32>
    %dot_general3A_202 = arith.constant dense<0.000000e+00> : vector<1250x64xf32>
    %dot_general3A_203 = tpu.matmul %slice3A_198, %get3A_201, %dot_general3A_202 {dimension_numbers = #tpu.dot_dimension_numbers<[1], [0], [0], [1], [0, 0, 1, 1], [], []>, transpose_lhs_hint = false} : vector<1250x16xf32>, vector<16x64xf32>, vector<1250x64xf32> -> vector<1250x64xf32>
    %get3A_204 = arith.constant 0 : index
    %get3A_205 = arith.constant 0 : index
    %get3A_206 = vector.load %arg4[%get3A_204, %get3A_205] : memref<1x64xf32, #tpu.memory_space<vmem>>, vector<1x64xf32>
    %add3A_207 = vector.broadcast %get3A_206 : vector<1x64xf32> to vector<1250x64xf32>
    %add3A_208 = arith.addf %dot_general3A_203, %add3A_207 : vector<1250x64xf32>
    %reduce_max3A_209 = arith.constant dense<0xFF800000> : vector<1250xf32>
    %reduce_max3A_210 = vector.multi_reduction <maximumf>, %add3A_208, %reduce_max3A_209 [1] : vector<1250x64xf32> to vector<1250xf32>
    %broadcast_in_dim3A_211 = vector.shape_cast %reduce_max3A_210 : vector<1250xf32> to vector<1250x1xf32>
    %sub3A_212 = vector.broadcast %broadcast_in_dim3A_211 : vector<1250x1xf32> to vector<1250x64xf32>
    %sub3A_213 = arith.subf %add3A_208, %sub3A_212 : vector<1250x64xf32>
    %exp3A_214 = math.exp %sub3A_213 : vector<1250x64xf32>
    %reduce_sum3A_215 = arith.constant dense<0.000000e+00> : vector<1250xf32>
    %reduce_sum3A_216 = vector.multi_reduction <add>, %exp3A_214, %reduce_sum3A_215 [1] : vector<1250x64xf32> to vector<1250xf32>
    %broadcast_in_dim3A_217 = vector.shape_cast %reduce_sum3A_216 : vector<1250xf32> to vector<1250x1xf32>
    %log3A_218 = math.log %broadcast_in_dim3A_217 : vector<1250x1xf32>
    %add3A_219 = arith.addf %log3A_218, %broadcast_in_dim3A_211 : vector<1250x1xf32>
    %sub3A_220 = vector.broadcast %add3A_219 : vector<1250x1xf32> to vector<1250x64xf32>
    %sub3A_221 = arith.subf %add3A_208, %sub3A_220 : vector<1250x64xf32>
    %swap3A_222 = arith.constant 0 : index
    %swap3A_223 = arith.constant 6 : index
    %swap3A_224 = arith.constant 0 : index
    %swap3A_225 = vector.load %arg5[%swap3A_222, %swap3A_223, %swap3A_224] : memref<1250x8x64xf32, #tpu.memory_space<vmem>>, vector<1250x1x64xf32>
    %swap3A_226 = vector.shape_cast %swap3A_225 : vector<1250x1x64xf32> to vector<1250x64xf32>
    %swap3A_227 = vector.shape_cast %sub3A_221 : vector<1250x64xf32> to vector<1250x1x64xf32>
    tpu.vector_store %arg5[%swap3A_222, %swap3A_223, %swap3A_224], %swap3A_227 {strides = array<i32>} : memref<1250x8x64xf32, #tpu.memory_space<vmem>>, vector<1250x1x64xf32>,
    %slice3A_228 = vector.extract_strided_slice %mul3A {offsets = [0, 112], sizes = [1250, 16], strides = [1, 1]} : vector<1250x128xf32> to vector<1250x16xf32>
    %get3A_229 = arith.constant 0 : index
    %get3A_230 = arith.constant 0 : index
    %get3A_231 = vector.load %arg3[%get3A_229, %get3A_230] : memref<16x64xf32, #tpu.memory_space<vmem>>, vector<16x64xf32>
    %dot_general3A_232 = arith.constant dense<0.000000e+00> : vector<1250x64xf32>
    %dot_general3A_233 = tpu.matmul %slice3A_228, %get3A_231, %dot_general3A_232 {dimension_numbers = #tpu.dot_dimension_numbers<[1], [0], [0], [1], [0, 0, 1, 1], [], []>, transpose_lhs_hint = false} : vector<1250x16xf32>, vector<16x64xf32>, vector<1250x64xf32> -> vector<1250x64xf32>
    %get3A_234 = arith.constant 0 : index
    %get3A_235 = arith.constant 0 : index
    %get3A_236 = vector.load %arg4[%get3A_234, %get3A_235] : memref<1x64xf32, #tpu.memory_space<vmem>>, vector<1x64xf32>
    %add3A_237 = vector.broadcast %get3A_236 : vector<1x64xf32> to vector<1250x64xf32>
    %add3A_238 = arith.addf %dot_general3A_233, %add3A_237 : vector<1250x64xf32>
    %reduce_max3A_239 = arith.constant dense<0xFF800000> : vector<1250xf32>
    %reduce_max3A_240 = vector.multi_reduction <maximumf>, %add3A_238, %reduce_max3A_239 [1] : vector<1250x64xf32> to vector<1250xf32>
    %broadcast_in_dim3A_241 = vector.shape_cast %reduce_max3A_240 : vector<1250xf32> to vector<1250x1xf32>
    %sub3A_242 = vector.broadcast %broadcast_in_dim3A_241 : vector<1250x1xf32> to vector<1250x64xf32>
    %sub3A_243 = arith.subf %add3A_238, %sub3A_242 : vector<1250x64xf32>
    %exp3A_244 = math.exp %sub3A_243 : vector<1250x64xf32>
    %reduce_sum3A_245 = arith.constant dense<0.000000e+00> : vector<1250xf32>
    %reduce_sum3A_246 = vector.multi_reduction <add>, %exp3A_244, %reduce_sum3A_245 [1] : vector<1250x64xf32> to vector<1250xf32>
    %broadcast_in_dim3A_247 = vector.shape_cast %reduce_sum3A_246 : vector<1250xf32> to vector<1250x1xf32>
    %log3A_248 = math.log %broadcast_in_dim3A_247 : vector<1250x1xf32>
    %add3A_249 = arith.addf %log3A_248, %broadcast_in_dim3A_241 : vector<1250x1xf32>
    %sub3A_250 = vector.broadcast %add3A_249 : vector<1250x1xf32> to vector<1250x64xf32>
    %sub3A_251 = arith.subf %add3A_238, %sub3A_250 : vector<1250x64xf32>
    %swap3A_252 = arith.constant 0 : index
    %swap3A_253 = arith.constant 7 : index
    %swap3A_254 = arith.constant 0 : index
    %swap3A_255 = vector.load %arg5[%swap3A_252, %swap3A_253, %swap3A_254] : memref<1250x8x64xf32, #tpu.memory_space<vmem>>, vector<1250x1x64xf32>
    %swap3A_256 = vector.shape_cast %swap3A_255 : vector<1250x1x64xf32> to vector<1250x64xf32>
    %swap3A_257 = vector.shape_cast %sub3A_251 : vector<1250x64xf32> to vector<1250x1x64xf32>
    tpu.vector_store %arg5[%swap3A_252, %swap3A_253, %swap3A_254], %swap3A_257 {strides = array<i32>} : memref<1250x8x64xf32, #tpu.memory_space<vmem>>, vector<1250x1x64xf32>,
    return
  }
}

</mosaic_0001>

<sc_bundles>
// kernel: kernel.11.cloned.1.call-start
scs
__scs_entry_jumppad:
0x0: {  	(pc) =	sbr.rel $0x88, $3  }
0x1: {  	(tag) =	ssettag $0x0;
	lr =	simm.s32 $0x1  }
0x2: {  	[smem:$0x3F9B] =	sst lr;
	_ =	strace $0xD0000000  }
0x3: {  	_ = 	snop  }
0x4: {  	_ = 	snop  }
0x5: {  	_ = 	snop  }
0x6: {  	_ = 	snop  }
0x7: {  	_ = 	snop  }
__scs_overlays_trampoline_lowered:
0x8: {  	[smem:$0x3FAA] =	sst s0  }
0x9: {  	[smem:$0x3FAB] =	sst s1  }
0xa: {  	[smem:$0x3FAC] =	sst s2  }
0xb: {  	[smem:$0x3FAD] =	sst s3  }
0xc: {  	[smem:$0x3FAE] =	sst s4  }
0xd: {  	[smem:$0x3FAF] =	sst s5  }
0xe: {  	[smem:$0x3FB0] =	sst s6  }
0xf: {  	[smem:$0x3FB1] =	sst s7  }
0x10: {  	[smem:$0x3FB2] =	sst s8  }
0x11: {  	[smem:$0x3FB3] =	sst s9;
	s0 =	simm.s32 @!p0 $0x0  }
0x12: {  	s1 =	sld [smem:$0x3F99];
	s0 =	simm.s32 @p0 $0x1  }
0x13: {  	[smem:$0x3FB4] =	sst s0;
	s0 =	simm.s32 @!p1 $0x0  }
0x14: {  	s2 =	sld [smem:$0x3F98];
	s0 =	simm.s32 @p1 $0x1  }
0x15: {  	[smem:$0x3FB5] =	sst s0;
	s0 =	simm.s32 @!p2 $0x0  }
0x16: {  	s3 =	sld [smem:$0x3FDB];
	s0 =	simm.s32 @p2 $0x1  }
0x17: {  	s4 =	simm.s32 $0x1BF5;
	[smem:$0x3FB7] =	sst s0  }
0x18: {  	s0 =	sld [smem:$0x3F9A];
	_ =	swait.ge [sflag:s4], $0x0  }
0x19: {  	s7 =	sld [smem:$0x3F9B]  }
0x1a: {  	s8 =	sadd.s32 $0xFFFFE003, lr  }
0x1b: {  	s9 =	sadd.s32 $0xFFFFFEF7, lr;
	s5 =	simm.s32 $0xFFFFFFFF;
	p2 =	slt.u32 s8, $0xFFFFF086  }
0x1c: {  	p1 =	slt.u32 s9, $0xF7A;
	s5 =	simm.s32 @!p2 $0x0  }
0x1d: {  	s5 =	simm.s32 @p1 $0x1;
	p0 =	seq.s32 s7, s2  }
0x1e: {  	s7 =	smul.u32 @!p0 $0xF7A, s2;
	p2 =	seq.s32 @!p0 s5, $0x0  }
0x1f: {  	s9 =	smul.u32 $0xF7A, s1;
	s8 =	simm.s32 @!p0 $0x1BF5;
	p2 =	por !p2, p0  }
0x20: {  	[sflag:s8] =	ssyncset.s32 @!p0 $0xFFFFF086;
	s6 =	sadd.s32 @!p0 s3, s7;
	s7 =	simm.s32 @!p0 $0x108  }
0x21: {  	s3 =	sadd.s32 s3, s9;
	s6 =	sadd.s32 @!p0 $0x88, s6;
	s7 =	simm.s32 @p2 $0x1082  }
0x22: {  	[simem:s7], [sflag:s8] =	dma.local @!p0 [hbm:s6], $0xF7A  }
0x23: {  	s9 =	sor.u32 $0xD0000000, s2;
	s6 =	simm.s32 $0x108;
	_ =	swait.ge @!p0 [sflag:s8], $0x0  }
0x24: {  	s3 =	sadd.s32 $0x88, s3;
	s6 =	simm.s32 @!p1 $0x1082;
	[sflag:s4] =	ssyncset.s32 $0xFFFFF086  }
0x25: {  	[simem:s6], [sflag:s4] =	dma.local [hbm:s3], $0xF7A  }
0x26: {  	[smem:$0x3F9B] =	sst s1;
	(tag) =	ssettag s2;
	_ =	strace s9  }
0x27: {  	s1 =	sld [smem:$0x3FAB]  }
0x28: {  	s2 =	sld [smem:$0x3FAC]  }
0x29: {  	s4 =	sld [smem:$0x3FAE]  }
0x2a: {  	p0 =	seq.s32 s5, $0x0;
	s5 =	sld [smem:$0x3FAF]  }
0x2b: {  	s6 =	sld [smem:$0x3FB0]  }
0x2c: {  	s7 =	sld [smem:$0x3FB1]  }
0x2d: {  	s3 =	simm.s32 $0x108;
	s8 =	sld [smem:$0x3FB2]  }
0x2e: {  	s3 =	simm.s32 @!p0 $0x1082;
	s9 =	sld [smem:$0x3FB3]  }
0x2f: {  	lr =	sadd.s32 s0, s3;
	s0 =	sld [smem:$0x3FAA]  }
0x30: {  	s3 =	sld [smem:$0x3FAD]  }
0x31: {  	[smem:$0x3FB6] =	sst s10  }
0x32: {  	s10 =	sld [smem:$0x3FB4];
	_ =	sdelay $0x3  }
0x33: {  	p0 =	seq.s32 s10, $0x1;
	s10 =	sld [smem:$0x3FB6];
	_ =	sdelay $0x3  }
0x34: {  	[smem:$0x3FB6] =	sst s10  }
0x35: {  	s10 =	sld [smem:$0x3FB5];
	_ =	sdelay $0x3  }
0x36: {  	p1 =	seq.s32 s10, $0x1;
	s10 =	sld [smem:$0x3FB6];
	_ =	sdelay $0x3  }
0x37: {  	[smem:$0x3FB6] =	sst s10  }
0x38: {  	s10 =	sld [smem:$0x3FB7]  }
0x39: {  	_ = 	snop;
	(pc) =	sbr.ind lr, $3  }
0x3a: {  	_ = 	snop  }
0x3b: {  	_ = 	snop  }
0x3c: {  	p2 =	seq.s32 s10, $0x1;
	s10 =	sld [smem:$0x3FB6]  }
0x3d: {  	_ =	shalt  }
0x3e: {  	_ =	shalt  }
0x3f: {  	_ =	shalt  }
0x40: {  	_ =	shalt  }
0x41: {  	_ =	shalt  }
0x42: {  	_ =	shalt  }
0x43: {  	_ =	shalt  }
0x44: {  	_ =	shalt  }
0x45: {  	_ =	shalt  }
0x46: {  	_ =	shalt  }
0x47: {  	_ =	shalt  }
0x48: {  	_ =	shalt  }
0x49: {  	_ =	shalt  }
0x4a: {  	_ =	shalt  }
0x4b: {  	_ =	shalt  }
0x4c: {  	_ =	shalt  }
0x4d: {  	_ =	shalt  }
0x4e: {  	_ =	shalt  }
0x4f: {  	_ =	shalt  }
0x50: {  	_ =	shalt  }
0x51: {  	_ =	shalt  }
0x52: {  	_ =	shalt  }
0x53: {  	_ =	shalt  }
0x54: {  	_ =	shalt  }
0x55: {  	_ =	shalt  }
0x56: {  	_ =	shalt  }
0x57: {  	_ =	shalt  }
0x58: {  	_ =	shalt  }
0x59: {  	_ =	shalt  }
0x5a: {  	_ =	shalt  }
0x5b: {  	_ =	shalt  }
0x5c: {  	_ =	shalt  }
0x5d: {  	_ =	shalt  }
0x5e: {  	_ =	shalt  }
0x5f: {  	_ =	shalt  }
0x60: {  	_ =	shalt  }
0x61: {  	_ =	shalt  }
0x62: {  	_ =	shalt  }
0x63: {  	_ =	shalt  }
0x64: {  	_ =	shalt  }
0x65: {  	_ =	shalt  }
0x66: {  	_ =	shalt  }
0x67: {  	_ =	shalt  }
0x68: {  	_ =	shalt  }
0x69: {  	_ =	shalt  }
0x6a: {  	_ =	shalt  }
0x6b: {  	_ =	shalt  }
0x6c: {  	_ =	shalt  }
0x6d: {  	_ =	shalt  }
0x6e: {  	_ =	shalt  }
0x6f: {  	_ =	shalt  }
0x70: {  	_ =	shalt  }
0x71: {  	_ =	shalt  }
0x72: {  	_ =	shalt  }
0x73: {  	_ =	shalt  }
0x74: {  	_ =	shalt  }
0x75: {  	_ =	shalt  }
0x76: {  	_ =	shalt  }
0x77: {  	_ =	shalt  }
0x78: {  	_ =	shalt  }
0x79: {  	_ =	shalt  }
0x7a: {  	_ =	shalt  }
0x7b: {  	_ =	shalt  }
0x7c: {  	_ =	shalt  }
0x7d: {  	_ =	shalt  }
0x7e: {  	_ =	shalt  }
0x7f: {  	_ =	shalt  }
0x80: {  	_ =	shalt  }
0x81: {  	_ =	shalt  }
0x82: {  	_ =	shalt  }
0x83: {  	_ =	shalt  }
0x84: {  	_ =	shalt  }
0x85: {  	_ =	shalt  }
0x86: {  	_ =	shalt  }
0x87: {  	_ =	shalt  }
.Lfunc_end0:
.L_simem_size_0:
called_computation.1_lowered:
.L_overlay_start_0:
0x88: {  	s2 =	sld [smem:$0x3FD9]  }
0x89: {  	s3 =	sld [smem:$0x3FFE];
	_ =	sdelay $0x1  }
0x8a: {  	s1 =	srdreg.scid  }
0x8b: {  	s0 =	sand.u32 $0x1, s1  }
0x8c: {  	s17 =	sshll.u32 s0, $0xA;
	s2 =	sadd.s32 s3, s2  }
0x8d: {  	s2 =	sadd.s32 s2, s17  }
0x8e: {  	[smem:$0x3FC2] =	sst s2  }
0x8f: {  	_ = 	snop  }
0x90: {  	s2 =	sld [smem:$0x3FD0];
	(tm) =	ssettm $0x1  }
0x91: {  	s18 =	sld [smem:$0x3FFB];
	_ =	sdelay $0x3  }
0x92: {  	_ =	strace s18  }
0x93: {  	s3 =	sld [smem:$0x3FFC];
	_ =	sdelay $0x3  }
0x94: {  	_ =	strace s3  }
0x95: {  	s3 =	sld [smem:$0x3FFD];
	_ =	sdelay $0x3  }
0x96: {  	_ =	strace s3  }
0x97: {  	_ =	strace $0x8FFFFFFF  }
0x98: {  	s19 =	sld [smem:$0x3FDB];
	_ =	sdelay $0x1  }
0x99: {  	s4 =	simm.s32 $_scs_section_size  }
0x9a: {  	s5 =	simm.s32 $_size__tile_overlayer_lowered;
	s6 =	simm.s32 $_tile_overlayer_lowered  }
0x9b: {  	s22 =	simm.s32 $0x1BFF;
	s21 =	sshll.u32 s6, $0x1;
	s3 =	sadd.s32 s4, s19  }
0x9c: {  	s7 =	simm.s32 $0x0;
	s20 =	sshll.u32 s5, $0x1;
	s5 =	sadd.s32 s21, s3  }
0x9d: {  	[timem:s7], [sflag:s22] =	dma.local [hbm:s5], s20  }
0x9e: {  	_ =	swait.ge [sflag:s22], s20  }
0x9f: {  	s4 =	ssub.s32 $0x0, s20;
	[sflag:s22] =	ssyncset.done $0x0  }
0xa0: {  	[sflag:s22] =	ssyncadd.s32 s4;
	_ =	sdelay $0x1  }
0xa1: {  	s23 =	simm.s32 $0x1B8B  }
0xa2: {  	_ =	swait.ge [sflag:s23], $0x1  }
0xa3: {  	[sflag:s23] =	ssyncset.done $0x0  }
0xa4: {  	s25 =	simm.s32 $0x1B8E;
	s24 =	sld [smem:$0x3FFE];
	[sflag:s23] =	ssyncadd.s32 $0xFFFFFFFF  }
0xa5: {  	s26 =	simm.s32 $execute0_lowered;
	[smem:$0x3FD2] =	sst s25  }
0xa6: {  	s5 =	sshll.u32 s26, $0x1;
	_ =	strace $0x80000049;
	[dreg:$0x1] =	wrdreg $0xFFFFFFFF  }
0xa7: {  	s28 =	simm.s32 $_size_execute0_lowered;
	s3 =	sadd.s32 s3, s5;
	[dreg:$0x0] =	wrdreg $0x0  }
0xa8: {  	s5 =	sshll.u32 s28, $0x1;
	[dreg:$0x2] =	wrdreg s3  }
0xa9: {  	[dreg:$0x3] =	wrdreg s5  }
0xaa: {  	[dreg:$0x4] =	wrdreg $0xC0  }
0xab: {  	_ =	task [dreg:s7], $0x5FFFF  }
0xac: {  	[dreg:$0x1] =	wrdreg $0xFFFFFFFF  }
0xad: {  	[dreg:$0x0] =	wrdreg $0x60  }
0xae: {  	[dreg:$0x2] =	wrdreg s24  }
0xaf: {  	[dreg:$0x3] =	wrdreg s2  }
0xb0: {  	[dreg:$0x4] =	wrdreg $0x58200  }
0xb1: {  	[dreg:$0x5] =	wrdreg $0x9  }
0xb2: {  	_ =	task.clear_ibuf [dreg:s7], $0x6FFFF;
	_ =	strace $0x90000049  }
0xb3: {  	s29 =	simm.s32 $0x9;
	_ =	strace $0x8000004B  }
0xb4: {  	_ =	swait.ge [sflag:s29], $0x1  }
0xb5: {  	[sflag:s29] =	ssyncadd.s32 $0xFFFFFFFF  }
0xb6: {  	_ =	strace $0x9000004B  }
0xb7: {  	_ =	sfence  }
0xb8: {  	s30 =	sld [smem:$0x0];
	_ =	sdelay $0x2  }
0xb9: {  	s31 =	sshll.u32 s1, $0xD;
	s1 =	sshrl.u32 s1, $0x2  }
0xba: {  	s3 =	sand.u32 $0x4000, s31;
	s1 =	sadd.s32 s1, s30  }
0xbb: {  	s0 =	sor.u32 s3, s0;
	s1 =	sshll.u32 s1, $0x11  }
0xbc: {  	s0 =	sor.u32 s1, s0  }
0xbd: {  	s0 =	sadd.s32 $0x8F2B, s0  }
0xbe: {  	[sflag:s0] =	ssyncadd.remote.s32 $0x1  }
0xbf: {  	_ =	sfence.sel $0xFFFF  }
0xc0: {  	[dreg:$0x0] =	wrdreg $0xFFFFFFFF;
	(pc) =	sbr.abs _section_cstart, $3  }
0xc1: {  	[dreg:$0x1] =	wrdreg $0xFFFFFFFF  }
0xc2: {  	_ =	task.clear_ibuf [dreg:s7], $0x2FFFF;
	_ =	strace $0x9FFFFFFF  }
0xc3: {  	(tm) =	ssettm $0x7FFFFFFF  }
tec
execute0_lowered:
.L_overlay_start_1:
0x0: {  	(tag) =	ssettag $0x1  }
0x1: {  	s5 =	rddreg [dreg:$0x0]  }
0x2: {  	s15 =	rddreg [dreg:$0x1]  }
0x3: {  	s1 =	srdreg.scid;
	s0 =	stileid.u32  }
0x4: {  	s2 =	rddreg [dreg:$0x2];
	s3 =	simm.s32 $0x0;
	s18 =	simm.s32 $0x2710  }
0x5: {  	s19 =	simm.s32 $0x4E20;
	s20 =	simm.s32 $0x50;
	s21 =	simm.s32 $0x5320  }
0x6: {  	s22 =	simm.s32 $0x1;
	s23 =	simm.s32 $0x2;
	s24 =	simm.s32 $0x4DD0  }
0x7: {  	s25 =	simm.s32 $0x0;
	s7 =	sand.u32 $0x1, s1;
	s10 =	smul.u32 $0xA000, s0  }
0x8: {  	s4 =	sshll.u32 s0, $0x1;
	s1 =	rddreg [dreg:$0x3];
	s12 =	smul.u32 $0x2800, s0  }
0x9: {  	[smem:$0x7FF] =	sst s3;
	s4 =	sor.u32 s7, s4;
	s13 =	smul.u32 $0x28000, s7  }
0xa: {  	s8 =	ssub.s32 $0x2, s7;
	_ =	strace $0x8000004A;
	s6 =	smul.u32 $0x4E2, s4  }
0xb: {  	s9 =	sshrl.u32 s8, $0x1;
	s4 =	sadd.s32 $0x15E00, s5;
	s31 =	sshrl.u32 s10, $0x2  }
0xc: {  	s7 =	sadd.s32 s12, s2;
	s16 =	ssub.s32 s8, s9;
	s14 =	sadd.s32 s31, s2  }
0xd: {  	s17 =	sadd.s32 s12, s13;
	s6 =	sadd.s32 s6, s5;
	s8 =	sadd.s32 $0x500, s14  }
0xe: {  	s9 =	sadd.s32 $0xA00, s14;
	s10 =	sadd.s32 $0xF00, s14;
	s11 =	sadd.s32 $0x1400, s14  }
0xf: {  	s12 =	sadd.s32 $0x1900, s14;
	s13 =	sadd.s32 $0x1E00, s14;
	s17 =	sshrl.u32 s17, $0x3  }
0x10: {  	s14 =	sadd.s32 $0x2300, s14;
	s16 =	smax.u32 s16, $0x1;
	s5 =	sadd.s32 $0x2200, s6  }
0x11: {  	v0 =	vimm.f32 $0.0e+00;
	s6 =	sadd.s32 $0xC000, s6;
	s15 =	sadd.s32 s15, s17;
	s17 =	simm.s32 $0x3  }
.LBB2_1:
0x12: {  	[tilespmem:s3], [sflag:$0x3] =	stream.linear.gather [hbm4b:s5+s3], $0x2710, $0x38;
	[tilespmem:$0x8020] =	vst v63  }
0x13: {  	_ =	swait.ge [sflag:s17], $0x2710  }
0x14: {  	[sflag:s17] =	ssyncset.done $0x0  }
0x15: {  	[sflag:s17] =	ssyncadd.s32 $0xFFFFD8F0  }
0x16: {  	[tilespmem:s18], [sflag:$0x3] =	stream.linear.gather [hbm4b:s6+s3], $0x2710, $0x38;
	[tilespmem:$0x8020] =	vst v63  }
0x17: {  	_ =	swait.ge [sflag:s17], $0x2710  }
0x18: {  	[sflag:s17] =	ssyncset.done $0x0  }
0x19: {  	s26 =	simm.s32 $0x40;
	s28 =	simm.s32 $0x0;
	[sflag:s17] =	ssyncadd.s32 $0xFFFFD8F0  }
.LBB2_2:
0x1a: {  	p0 =	sne.s32 s26, $0x13C0;
	[tilespmem:s28+$0x4E20] =	vst v0;
	s28 =	smov.u32 s26;
	s26 =	sadd.s32 $0x40, s26  }
.Ltmp0:
0x1b: {  	(pc) =	sbr.rel @p0 .LBB2_2-.Ltmp0, $2  }
0x1c: {  	_ =	sdelay $0x2  }
0x1d: {  	s28 =	sshra.s32 s28, $0x2  }
0x1e: {  	[tilespmem:s28+$0x4E20] =	vst v0  }
0x1f: {  	[spmem:s7] =	stream.linear.scatter [tilespmem:s19], [sflag:$0x3], $0x500, $0x38;
	[tilespmem:$0x8020] =	vst v63  }
0x20: {  	_ =	swait.ge [sflag:s17], $0x500  }
0x21: {  	[sflag:s17] =	ssyncset.done $0x0  }
0x22: {  	[sflag:s17] =	ssyncadd.s32 $0xFFFFFB00  }
0x23: {  	[spmem:s8] =	stream.linear.scatter [tilespmem:s19], [sflag:$0x3], $0x500, $0x38;
	[tilespmem:$0x8020] =	vst v63  }
0x24: {  	_ =	swait.ge [sflag:s17], $0x500  }
0x25: {  	[sflag:s17] =	ssyncset.done $0x0  }
0x26: {  	[sflag:s17] =	ssyncadd.s32 $0xFFFFFB00  }
0x27: {  	[spmem:s9] =	stream.linear.scatter [tilespmem:s19], [sflag:$0x3], $0x500, $0x38;
	[tilespmem:$0x8020] =	vst v63  }
0x28: {  	_ =	swait.ge [sflag:s17], $0x500  }
0x29: {  	[sflag:s17] =	ssyncset.done $0x0  }
0x2a: {  	[sflag:s17] =	ssyncadd.s32 $0xFFFFFB00  }
0x2b: {  	[spmem:s10] =	stream.linear.scatter [tilespmem:s19], [sflag:$0x3], $0x500, $0x38;
	[tilespmem:$0x8020] =	vst v63  }
0x2c: {  	_ =	swait.ge [sflag:s17], $0x500  }
0x2d: {  	[sflag:s17] =	ssyncset.done $0x0  }
0x2e: {  	[sflag:s17] =	ssyncadd.s32 $0xFFFFFB00  }
0x2f: {  	[spmem:s11] =	stream.linear.scatter [tilespmem:s19], [sflag:$0x3], $0x500, $0x38;
	[tilespmem:$0x8020] =	vst v63  }
0x30: {  	_ =	swait.ge [sflag:s17], $0x500  }
0x31: {  	[sflag:s17] =	ssyncset.done $0x0  }
0x32: {  	[sflag:s17] =	ssyncadd.s32 $0xFFFFFB00  }
0x33: {  	[spmem:s12] =	stream.linear.scatter [tilespmem:s19], [sflag:$0x3], $0x500, $0x38;
	[tilespmem:$0x8020] =	vst v63  }
0x34: {  	_ =	swait.ge [sflag:s17], $0x500  }
0x35: {  	[sflag:s17] =	ssyncset.done $0x0  }
0x36: {  	[sflag:s17] =	ssyncadd.s32 $0xFFFFFB00  }
0x37: {  	[spmem:s13] =	stream.linear.scatter [tilespmem:s19], [sflag:$0x3], $0x500, $0x38;
	[tilespmem:$0x8020] =	vst v63  }
0x38: {  	_ =	swait.ge [sflag:s17], $0x500  }
0x39: {  	[sflag:s17] =	ssyncset.done $0x0  }
0x3a: {  	[sflag:s17] =	ssyncadd.s32 $0xFFFFFB00  }
0x3b: {  	[spmem:s14] =	stream.linear.scatter [tilespmem:s19], [sflag:$0x3], $0x500, $0x38;
	[tilespmem:$0x8020] =	vst v63  }
0x3c: {  	_ =	swait.ge [sflag:s17], $0x500  }
0x3d: {  	[sflag:s17] =	ssyncset.done $0x0  }
0x3e: {  	[sflag:s17] =	ssyncadd.s32 $0xFFFFFB00  }
0x3f: {  	s26 =	simm.s32 $0x0;
	[bflag:$0x0] =	sbarrier.arrive $0xFFFF  }
0x40: {  	[tilespmem:s19], [sflag:$0x1] =	stream.indirect.gather [hbm4b:s4+s20], $0x10, s26, s20, $0xb8;
	[tilespmem:$0x8020] =	vst v63  }
0x41: {  	s31 =	simm.s32 $0x50  }
0x42: {  	[tilespmem:s21], [sflag:$0x2] =	stream.indirect.gather [hbm4b:s4+s20], $0x10, s31, s20, $0xb8;
	[tilespmem:$0x8020] =	vst v63  }
0x43: {  	_ =	swait.ge [sflag:s22], $0x500  }
0x44: {  	[sflag:s22] =	ssyncset.done $0x0  }
0x45: {  	s29 =	simm.s32 $0x2710;
	[sflag:s22] =	ssyncadd.s32 $0xFFFFFB00  }
0x46: {  	[spmem:s2] =	stream.indirect.scatter.add.f32 [tilespmem:s19], [sflag:$0x3], $0x10, s29, s20, $0xb8;
	[tilespmem:$0x8020] =	vst v63  }
0x47: {  	_ =	swait.ge [sflag:s17], $0x500  }
0x48: {  	[sflag:s17] =	ssyncset.done $0x0  }
0x49: {  	s30 =	simm.s32 $0xA0;
	[sflag:s17] =	ssyncadd.s32 $0xFFFFFB00  }
0x4a: {  	[tilespmem:s19], [sflag:$0x1] =	stream.indirect.gather [hbm4b:s4+s20], $0x10, s30, s20, $0xb8;
	[tilespmem:$0x8020] =	vst v63  }
0x4b: {  	_ =	swait.ge [sflag:s23], $0x500  }
0x4c: {  	[sflag:s23] =	ssyncset.done $0x0  }
0x4d: {  	s31 =	simm.s32 $0x2760;
	[sflag:s23] =	ssyncadd.s32 $0xFFFFFB00  }
0x4e: {  	[spmem:s2] =	stream.indirect.scatter.add.f32 [tilespmem:s21], [sflag:$0x3], $0x10, s31, s20, $0xb8;
	[tilespmem:$0x8020] =	vst v63  }
0x4f: {  	_ =	swait.ge [sflag:s17], $0x500  }
0x50: {  	s28 =	simm.s32 $0x500;
	s26 =	simm.s32 $0xA0;
	[sflag:s17] =	ssyncset.done $0x0  }
.LBB2_4:
0x51: {  	s29 =	sadd.s32 $0x50, s26  }
0x52: {  	[sflag:s17] =	ssyncadd.s32 $0xFFFFFB00;
	s30 =	smov.u32 s28;
	s31 =	sadd.s32 $0x280, s28  }
0x53: {  	[tilespmem:s21], [sflag:$0x2] =	stream.indirect.gather [hbm4b:s4+s20], $0x10, s29, s20, $0xb8;
	[tilespmem:$0x8020] =	vst v63  }
0x54: {  	p0 =	sne.s32 s28, $0x9880;
	_ =	swait.ge [sflag:s22], $0x500  }
0x55: {  	[sflag:s22] =	ssyncset.done $0x0  }
0x56: {  	s28 =	sadd.s32 $0x2710, s26;
	[sflag:s22] =	ssyncadd.s32 $0xFFFFFB00  }
0x57: {  	[spmem:s2] =	stream.indirect.scatter.add.f32 [tilespmem:s19], [sflag:$0x3], $0x10, s28, s20, $0xb8;
	[tilespmem:$0x8020] =	vst v63  }
0x58: {  	_ =	swait.ge [sflag:s17], $0x500  }
0x59: {  	[sflag:s17] =	ssyncset.done $0x0  }
0x5a: {  	s28 =	sadd.s32 $0xA0, s26;
	[sflag:s17] =	ssyncadd.s32 $0xFFFFFB00  }
0x5b: {  	[tilespmem:s19], [sflag:$0x1] =	stream.indirect.gather [hbm4b:s4+s20], $0x10, s28, s20, $0xb8;
	[tilespmem:$0x8020] =	vst v63  }
0x5c: {  	_ =	swait.ge [sflag:s23], $0x500  }
.Ltmp1:
0x5d: {  	[sflag:s23] =	ssyncset.done $0x0;
	(pc) =	sbr.rel @p0 .LBB2_4-.Ltmp1, $4  }
0x5e: {  	s26 =	sadd.s32 $0x2760, s26;
	[sflag:s23] =	ssyncadd.s32 $0xFFFFFB00  }
0x5f: {  	[spmem:s2] =	stream.indirect.scatter.add.f32 [tilespmem:s21], [sflag:$0x3], $0x10, s26, s20, $0xb8;
	[tilespmem:$0x8020] =	vst v63  }
0x60: {  	_ =	swait.ge [sflag:s17], $0x500  }
0x61: {  	s28 =	smov.u32 s31;
	s26 =	sshra.s32 s30, $0x2;
	[sflag:s17] =	ssyncset.done $0x0  }
0x62: {  	s28 =	sadd.s32 $0x50, s26;
	[sflag:s17] =	ssyncadd.s32 $0xFFFFFB00  }
0x63: {  	[tilespmem:s21], [sflag:$0x2] =	stream.indirect.gather [hbm4b:s4+s20], $0x10, s28, s20, $0xb8;
	[tilespmem:$0x8020] =	vst v63  }
0x64: {  	_ =	swait.ge [sflag:s22], $0x500  }
0x65: {  	[sflag:s22] =	ssyncset.done $0x0  }
0x66: {  	s30 =	sadd.s32 $0x2710, s26;
	[sflag:s22] =	ssyncadd.s32 $0xFFFFFB00  }
0x67: {  	[spmem:s2] =	stream.indirect.scatter.add.f32 [tilespmem:s19], [sflag:$0x3], $0x10, s30, s20, $0xb8;
	[tilespmem:$0x8020] =	vst v63  }
0x68: {  	_ =	swait.ge [sflag:s17], $0x500  }
0x69: {  	[sflag:s17] =	ssyncset.done $0x0  }
0x6a: {  	s31 =	sadd.s32 $0xA0, s26;
	[sflag:s17] =	ssyncadd.s32 $0xFFFFFB00  }
0x6b: {  	[tilespmem:s19], [sflag:$0x1] =	stream.indirect.gather [hbm4b:s4+s20], $0x10, s31, s20, $0xb8;
	[tilespmem:$0x8020] =	vst v63  }
0x6c: {  	_ =	swait.ge [sflag:s23], $0x500  }
0x6d: {  	[sflag:s23] =	ssyncset.done $0x0  }
0x6e: {  	s29 =	sadd.s32 $0x2760, s26;
	[sflag:s23] =	ssyncadd.s32 $0xFFFFFB00  }
0x6f: {  	[spmem:s2] =	stream.indirect.scatter.add.f32 [tilespmem:s21], [sflag:$0x3], $0x10, s29, s20, $0xb8;
	[tilespmem:$0x8020] =	vst v63  }
0x70: {  	_ =	swait.ge [sflag:s17], $0x500  }
0x71: {  	[sflag:s17] =	ssyncset.done $0x0  }
0x72: {  	[sflag:s17] =	ssyncadd.s32 $0xFFFFFB00  }
0x73: {  	_ =	swait.ge [sflag:s22], $0x500  }
0x74: {  	[sflag:s22] =	ssyncset.done $0x0  }
0x75: {  	[sflag:s22] =	ssyncadd.s32 $0xFFFFFB00  }
0x76: {  	[spmem:s2] =	stream.indirect.scatter.add.f32 [tilespmem:s19], [sflag:$0x3], $0x10, s24, s20, $0xb8;
	[tilespmem:$0x8020] =	vst v63  }
0x77: {  	_ =	swait.ge [sflag:s17], $0x500  }
0x78: {  	s25 =	sadd.s32 $0x1, s25;
	s30 =	sshll.u32 s0, $0x6;
	[sflag:s17] =	ssyncset.done $0x0  }
0x79: {  	p0 =	sne.s32 s25, s16;
	s26 =	sor.u32 $0x1C03, s30;
	[sflag:s17] =	ssyncadd.s32 $0xFFFFFB00  }
.Ltmp2:
0x7a: {  	s31 =	sshrl.u32 s7, $0x3;
	[bflag:$0x0] =	sbarrier.arrive $0xFFFF;
	(pc) =	sbr.rel @p0 .LBB2_1-.Ltmp2, $4  }
0x7b: {  	[hbm:s15], [sflag:s26] =	dma.local [spmem:s31], $0x500  }
0x7c: {  	_ =	swait.ge [sflag:s17], $0x500  }
0x7d: {  	[sflag:s17] =	ssyncset.done $0x0  }
0x7e: {  	[sflag:s17] =	ssyncadd.s32 $0xFFFFFB00  }
0x7f: {  	_ =	sfence.sel $0x180000  }
0x80: {  	[bflag:$0x0] =	sbarrier.arrive $0xFFFF  }
0x81: {  	p0 =	sne.s32 s0, $0x0;
	_ =	strace $0x9000004A  }
0x82: {  	s0 =	sadd.s32 @!p0 $0x100000, s1;
	[bflag:$0x2] =	sbarrier.arrive $0xFFFF  }
0x83: {  	[sflag:s0] =	ssyncadd.tile.s32 @!p0 $0x1;
	_ =	shalt  }
.Lfunc_end2:
_tile_overlayer_lowered:
.L_overlay_start_2:
0x84: {  	(tag) =	ssettag $0x2  }
0x85: {  	s0 =	rddreg [dreg:$0x0];
	s2 =	stileid.u32  }
0x86: {  	s1 =	rddreg [dreg:$0x1];
	p0 =	sne.s32 s2, $0x0  }
0x87: {  	s3 =	rddreg [dreg:$0x2];
	[bflag:$0x3] =	sbarrier.arrive $0xFFFF;
	s2 =	simm.s32 @!p0 $0x1C03  }
0x88: {  	[timem:s3], [sflag:s2] =	dma.local @!p0 [hbm:s0], s1  }
0x89: {  	s0 =	simm.s32 @!p0 $0x3  }
0x8a: {  	_ =	swait.ge @!p0 [sflag:s0], s1  }
0x8b: {  	s1 =	ssub.s32 @!p0 $0x0, s1;
	[sflag:s0] =	ssyncset.done @!p0 $0x0  }
0x8c: {  	[sflag:s0] =	ssyncadd.s32 @!p0 s1  }
0x8d: {  	[bflag:$0x3] =	sbarrier.arrive $0xFFFF  }
0x8e: {  	_ =	shalt  }

// kernel: kernel.14.cloned.1.call-start
scs
__scs_entry_jumppad:
0x0: {  	(pc) =	sbr.rel $0x88, $3  }
0x1: {  	(tag) =	ssettag $0x0;
	lr =	simm.s32 $0x1  }
0x2: {  	[smem:$0x3F9B] =	sst lr;
	_ =	strace $0xD0000000  }
0x3: {  	_ = 	snop  }
0x4: {  	_ = 	snop  }
0x5: {  	_ = 	snop  }
0x6: {  	_ = 	snop  }
0x7: {  	_ = 	snop  }
__scs_overlays_trampoline_lowered:
0x8: {  	[smem:$0x3FAA] =	sst s0  }
0x9: {  	[smem:$0x3FAB] =	sst s1  }
0xa: {  	[smem:$0x3FAC] =	sst s2  }
0xb: {  	[smem:$0x3FAD] =	sst s3  }
0xc: {  	[smem:$0x3FAE] =	sst s4  }
0xd: {  	[smem:$0x3FAF] =	sst s5  }
0xe: {  	[smem:$0x3FB0] =	sst s6  }
0xf: {  	[smem:$0x3FB1] =	sst s7  }
0x10: {  	[smem:$0x3FB2] =	sst s8  }
0x11: {  	[smem:$0x3FB3] =	sst s9;
	s0 =	simm.s32 @!p0 $0x0  }
0x12: {  	s1 =	sld [smem:$0x3F99];
	s0 =	simm.s32 @p0 $0x1  }
0x13: {  	[smem:$0x3FB4] =	sst s0;
	s0 =	simm.s32 @!p1 $0x0  }
0x14: {  	s2 =	sld [smem:$0x3F98];
	s0 =	simm.s32 @p1 $0x1  }
0x15: {  	[smem:$0x3FB5] =	sst s0;
	s0 =	simm.s32 @!p2 $0x0  }
0x16: {  	s3 =	sld [smem:$0x3FDB];
	s0 =	simm.s32 @p2 $0x1  }
0x17: {  	s4 =	simm.s32 $0x1BF5;
	[smem:$0x3FB7] =	sst s0  }
0x18: {  	s0 =	sld [smem:$0x3F9A];
	_ =	swait.ge [sflag:s4], $0x0  }
0x19: {  	s7 =	sld [smem:$0x3F9B]  }
0x1a: {  	s8 =	sadd.s32 $0xFFFFE003, lr  }
0x1b: {  	s9 =	sadd.s32 $0xFFFFFEF7, lr;
	s5 =	simm.s32 $0xFFFFFFFF;
	p2 =	slt.u32 s8, $0xFFFFF086  }
0x1c: {  	p1 =	slt.u32 s9, $0xF7A;
	s5 =	simm.s32 @!p2 $0x0  }
0x1d: {  	s5 =	simm.s32 @p1 $0x1;
	p0 =	seq.s32 s7, s2  }
0x1e: {  	s7 =	smul.u32 @!p0 $0xF7A, s2;
	p2 =	seq.s32 @!p0 s5, $0x0  }
0x1f: {  	s9 =	smul.u32 $0xF7A, s1;
	s8 =	simm.s32 @!p0 $0x1BF5;
	p2 =	por !p2, p0  }
0x20: {  	[sflag:s8] =	ssyncset.s32 @!p0 $0xFFFFF086;
	s6 =	sadd.s32 @!p0 s3, s7;
	s7 =	simm.s32 @!p0 $0x108  }
0x21: {  	s3 =	sadd.s32 s3, s9;
	s6 =	sadd.s32 @!p0 $0x88, s6;
	s7 =	simm.s32 @p2 $0x1082  }
0x22: {  	[simem:s7], [sflag:s8] =	dma.local @!p0 [hbm:s6], $0xF7A  }
0x23: {  	s9 =	sor.u32 $0xD0000000, s2;
	s6 =	simm.s32 $0x108;
	_ =	swait.ge @!p0 [sflag:s8], $0x0  }
0x24: {  	s3 =	sadd.s32 $0x88, s3;
	s6 =	simm.s32 @!p1 $0x1082;
	[sflag:s4] =	ssyncset.s32 $0xFFFFF086  }
0x25: {  	[simem:s6], [sflag:s4] =	dma.local [hbm:s3], $0xF7A  }
0x26: {  	[smem:$0x3F9B] =	sst s1;
	(tag) =	ssettag s2;
	_ =	strace s9  }
0x27: {  	s1 =	sld [smem:$0x3FAB]  }
0x28: {  	s2 =	sld [smem:$0x3FAC]  }
0x29: {  	s4 =	sld [smem:$0x3FAE]  }
0x2a: {  	p0 =	seq.s32 s5, $0x0;
	s5 =	sld [smem:$0x3FAF]  }
0x2b: {  	s6 =	sld [smem:$0x3FB0]  }
0x2c: {  	s7 =	sld [smem:$0x3FB1]  }
0x2d: {  	s3 =	simm.s32 $0x108;
	s8 =	sld [smem:$0x3FB2]  }
0x2e: {  	s3 =	simm.s32 @!p0 $0x1082;
	s9 =	sld [smem:$0x3FB3]  }
0x2f: {  	lr =	sadd.s32 s0, s3;
	s0 =	sld [smem:$0x3FAA]  }
0x30: {  	s3 =	sld [smem:$0x3FAD]  }
0x31: {  	[smem:$0x3FB6] =	sst s10  }
0x32: {  	s10 =	sld [smem:$0x3FB4];
	_ =	sdelay $0x3  }
0x33: {  	p0 =	seq.s32 s10, $0x1;
	s10 =	sld [smem:$0x3FB6];
	_ =	sdelay $0x3  }
0x34: {  	[smem:$0x3FB6] =	sst s10  }
0x35: {  	s10 =	sld [smem:$0x3FB5];
	_ =	sdelay $0x3  }
0x36: {  	p1 =	seq.s32 s10, $0x1;
	s10 =	sld [smem:$0x3FB6];
	_ =	sdelay $0x3  }
0x37: {  	[smem:$0x3FB6] =	sst s10  }
0x38: {  	s10 =	sld [smem:$0x3FB7]  }
0x39: {  	_ = 	snop;
	(pc) =	sbr.ind lr, $3  }
0x3a: {  	_ = 	snop  }
0x3b: {  	_ = 	snop  }
0x3c: {  	p2 =	seq.s32 s10, $0x1;
	s10 =	sld [smem:$0x3FB6]  }
0x3d: {  	_ =	shalt  }
0x3e: {  	_ =	shalt  }
0x3f: {  	_ =	shalt  }
0x40: {  	_ =	shalt  }
0x41: {  	_ =	shalt  }
0x42: {  	_ =	shalt  }
0x43: {  	_ =	shalt  }
0x44: {  	_ =	shalt  }
0x45: {  	_ =	shalt  }
0x46: {  	_ =	shalt  }
0x47: {  	_ =	shalt  }
0x48: {  	_ =	shalt  }
0x49: {  	_ =	shalt  }
0x4a: {  	_ =	shalt  }
0x4b: {  	_ =	shalt  }
0x4c: {  	_ =	shalt  }
0x4d: {  	_ =	shalt  }
0x4e: {  	_ =	shalt  }
0x4f: {  	_ =	shalt  }
0x50: {  	_ =	shalt  }
0x51: {  	_ =	shalt  }
0x52: {  	_ =	shalt  }
0x53: {  	_ =	shalt  }
0x54: {  	_ =	shalt  }
0x55: {  	_ =	shalt  }
0x56: {  	_ =	shalt  }
0x57: {  	_ =	shalt  }
0x58: {  	_ =	shalt  }
0x59: {  	_ =	shalt  }
0x5a: {  	_ =	shalt  }
0x5b: {  	_ =	shalt  }
0x5c: {  	_ =	shalt  }
0x5d: {  	_ =	shalt  }
0x5e: {  	_ =	shalt  }
0x5f: {  	_ =	shalt  }
0x60: {  	_ =	shalt  }
0x61: {  	_ =	shalt  }
0x62: {  	_ =	shalt  }
0x63: {  	_ =	shalt  }
0x64: {  	_ =	shalt  }
0x65: {  	_ =	shalt  }
0x66: {  	_ =	shalt  }
0x67: {  	_ =	shalt  }
0x68: {  	_ =	shalt  }
0x69: {  	_ =	shalt  }
0x6a: {  	_ =	shalt  }
0x6b: {  	_ =	shalt  }
0x6c: {  	_ =	shalt  }
0x6d: {  	_ =	shalt  }
0x6e: {  	_ =	shalt  }
0x6f: {  	_ =	shalt  }
0x70: {  	_ =	shalt  }
0x71: {  	_ =	shalt  }
0x72: {  	_ =	shalt  }
0x73: {  	_ =	shalt  }
0x74: {  	_ =	shalt  }
0x75: {  	_ =	shalt  }
0x76: {  	_ =	shalt  }
0x77: {  	_ =	shalt  }
0x78: {  	_ =	shalt  }
0x79: {  	_ =	shalt  }
0x7a: {  	_ =	shalt  }
0x7b: {  	_ =	shalt  }
0x7c: {  	_ =	shalt  }
0x7d: {  	_ =	shalt  }
0x7e: {  	_ =	shalt  }
0x7f: {  	_ =	shalt  }
0x80: {  	_ =	shalt  }
0x81: {  	_ =	shalt  }
0x82: {  	_ =	shalt  }
0x83: {  	_ =	shalt  }
0x84: {  	_ =	shalt  }
0x85: {  	_ =	shalt  }
0x86: {  	_ =	shalt  }
0x87: {  	_ =	shalt  }
.Lfunc_end0:
.L_simem_size_0:
called_computation.2_lowered:
.L_overlay_start_0:
0x88: {  	s2 =	sld [smem:$0x3FD9]  }
0x89: {  	s3 =	sld [smem:$0x3FFE];
	_ =	sdelay $0x1  }
0x8a: {  	s1 =	srdreg.scid  }
0x8b: {  	s0 =	sand.u32 $0x1, s1  }
0x8c: {  	s17 =	sshll.u32 s0, $0xA;
	s2 =	sadd.s32 s3, s2  }
0x8d: {  	s2 =	sadd.s32 s2, s17  }
0x8e: {  	[smem:$0x3FC2] =	sst s2  }
0x8f: {  	_ = 	snop  }
0x90: {  	s2 =	sld [smem:$0x3FD0];
	(tm) =	ssettm $0x1  }
0x91: {  	s18 =	sld [smem:$0x3FFB];
	_ =	sdelay $0x3  }
0x92: {  	_ =	strace s18  }
0x93: {  	s3 =	sld [smem:$0x3FFC];
	_ =	sdelay $0x3  }
0x94: {  	_ =	strace s3  }
0x95: {  	s3 =	sld [smem:$0x3FFD];
	_ =	sdelay $0x3  }
0x96: {  	_ =	strace s3  }
0x97: {  	_ =	strace $0x8FFFFFFF  }
0x98: {  	s19 =	sld [smem:$0x3FDB];
	_ =	sdelay $0x1  }
0x99: {  	s4 =	simm.s32 $_scs_section_size  }
0x9a: {  	s5 =	simm.s32 $_size__tile_overlayer_lowered;
	s6 =	simm.s32 $_tile_overlayer_lowered  }
0x9b: {  	s22 =	simm.s32 $0x1BFF;
	s21 =	sshll.u32 s6, $0x1;
	s3 =	sadd.s32 s4, s19  }
0x9c: {  	s7 =	simm.s32 $0x0;
	s20 =	sshll.u32 s5, $0x1;
	s5 =	sadd.s32 s21, s3  }
0x9d: {  	[timem:s7], [sflag:s22] =	dma.local [hbm:s5], s20  }
0x9e: {  	_ =	swait.ge [sflag:s22], s20  }
0x9f: {  	s4 =	ssub.s32 $0x0, s20;
	[sflag:s22] =	ssyncset.done $0x0  }
0xa0: {  	[sflag:s22] =	ssyncadd.s32 s4;
	_ =	sdelay $0x1  }
0xa1: {  	s23 =	simm.s32 $0x1B8B  }
0xa2: {  	_ =	swait.ge [sflag:s23], $0x1  }
0xa3: {  	[sflag:s23] =	ssyncset.done $0x0  }
0xa4: {  	s25 =	simm.s32 $0x1B8E;
	s24 =	sld [smem:$0x3FFE];
	[sflag:s23] =	ssyncadd.s32 $0xFFFFFFFF  }
0xa5: {  	s26 =	simm.s32 $execute0_lowered;
	[smem:$0x3FD2] =	sst s25  }
0xa6: {  	s5 =	sshll.u32 s26, $0x1;
	_ =	strace $0x8000004C;
	[dreg:$0x1] =	wrdreg $0xFFFFFFFF  }
0xa7: {  	s28 =	simm.s32 $_size_execute0_lowered;
	s3 =	sadd.s32 s3, s5;
	[dreg:$0x0] =	wrdreg $0x0  }
0xa8: {  	s5 =	sshll.u32 s28, $0x1;
	[dreg:$0x2] =	wrdreg s3  }
0xa9: {  	[dreg:$0x3] =	wrdreg s5  }
0xaa: {  	[dreg:$0x4] =	wrdreg $0xC0  }
0xab: {  	_ =	task [dreg:s7], $0x5FFFF  }
0xac: {  	[dreg:$0x1] =	wrdreg $0xFFFFFFFF  }
0xad: {  	[dreg:$0x0] =	wrdreg $0x60  }
0xae: {  	[dreg:$0x2] =	wrdreg s24  }
0xaf: {  	[dreg:$0x3] =	wrdreg s2  }
0xb0: {  	[dreg:$0x4] =	wrdreg $0x58200  }
0xb1: {  	[dreg:$0x5] =	wrdreg $0x9  }
0xb2: {  	_ =	task.clear_ibuf [dreg:s7], $0x6FFFF;
	_ =	strace $0x9000004C  }
0xb3: {  	s29 =	simm.s32 $0x9;
	_ =	strace $0x8000004E  }
0xb4: {  	_ =	swait.ge [sflag:s29], $0x1  }
0xb5: {  	[sflag:s29] =	ssyncadd.s32 $0xFFFFFFFF  }
0xb6: {  	_ =	strace $0x9000004E  }
0xb7: {  	_ =	sfence  }
0xb8: {  	s30 =	sld [smem:$0x0];
	_ =	sdelay $0x2  }
0xb9: {  	s31 =	sshll.u32 s1, $0xD;
	s1 =	sshrl.u32 s1, $0x2  }
0xba: {  	s3 =	sand.u32 $0x4000, s31;
	s1 =	sadd.s32 s1, s30  }
0xbb: {  	s0 =	sor.u32 s3, s0;
	s1 =	sshll.u32 s1, $0x11  }
0xbc: {  	s0 =	sor.u32 s1, s0  }
0xbd: {  	s0 =	sadd.s32 $0x8F2B, s0  }
0xbe: {  	[sflag:s0] =	ssyncadd.remote.s32 $0x1  }
0xbf: {  	_ =	sfence.sel $0xFFFF  }
0xc0: {  	[dreg:$0x0] =	wrdreg $0xFFFFFFFF;
	(pc) =	sbr.abs _section_cstart, $3  }
0xc1: {  	[dreg:$0x1] =	wrdreg $0xFFFFFFFF  }
0xc2: {  	_ =	task.clear_ibuf [dreg:s7], $0x2FFFF;
	_ =	strace $0x9FFFFFFF  }
0xc3: {  	(tm) =	ssettm $0x7FFFFFFF  }
tec
execute0_lowered:
.L_overlay_start_1:
0x0: {  	(tag) =	ssettag $0x1  }
0x1: {  	s5 =	rddreg [dreg:$0x0]  }
0x2: {  	s15 =	rddreg [dreg:$0x1]  }
0x3: {  	s1 =	srdreg.scid;
	s0 =	stileid.u32  }
0x4: {  	s2 =	rddreg [dreg:$0x2];
	s3 =	simm.s32 $0x0;
	s18 =	simm.s32 $0x2710  }
0x5: {  	s19 =	simm.s32 $0x4E20;
	s20 =	simm.s32 $0x50;
	s21 =	simm.s32 $0x5320  }
0x6: {  	s22 =	simm.s32 $0x1;
	s23 =	simm.s32 $0x2;
	s24 =	simm.s32 $0x4DD0  }
0x7: {  	s25 =	simm.s32 $0x0;
	s7 =	sand.u32 $0x1, s1;
	s10 =	smul.u32 $0xA000, s0  }
0x8: {  	s4 =	sshll.u32 s0, $0x1;
	s1 =	rddreg [dreg:$0x3];
	s12 =	smul.u32 $0x2800, s0  }
0x9: {  	[smem:$0x7FF] =	sst s3;
	s4 =	sor.u32 s7, s4;
	s13 =	smul.u32 $0x28000, s7  }
0xa: {  	s8 =	ssub.s32 $0x2, s7;
	_ =	strace $0x8000004D;
	s6 =	smul.u32 $0x4E2, s4  }
0xb: {  	s9 =	sshrl.u32 s8, $0x1;
	s4 =	sadd.s32 $0x15E00, s5;
	s31 =	sshrl.u32 s10, $0x2  }
0xc: {  	s7 =	sadd.s32 s12, s2;
	s16 =	ssub.s32 s8, s9;
	s14 =	sadd.s32 s31, s2  }
0xd: {  	s17 =	sadd.s32 s12, s13;
	s6 =	sadd.s32 s6, s5;
	s8 =	sadd.s32 $0x500, s14  }
0xe: {  	s9 =	sadd.s32 $0xA00, s14;
	s10 =	sadd.s32 $0xF00, s14;
	s11 =	sadd.s32 $0x1400, s14  }
0xf: {  	s12 =	sadd.s32 $0x1900, s14;
	s13 =	sadd.s32 $0x1E00, s14;
	s17 =	sshrl.u32 s17, $0x3  }
0x10: {  	s14 =	sadd.s32 $0x2300, s14;
	s16 =	smax.u32 s16, $0x1;
	s5 =	sadd.s32 $0x2200, s6  }
0x11: {  	v0 =	vimm.f32 $0.0e+00;
	s6 =	sadd.s32 $0xC000, s6;
	s15 =	sadd.s32 s15, s17;
	s17 =	simm.s32 $0x3  }
.LBB2_1:
0x12: {  	[tilespmem:s3], [sflag:$0x3] =	stream.linear.gather [hbm4b:s5+s3], $0x2710, $0x38;
	[tilespmem:$0x8020] =	vst v63  }
0x13: {  	_ =	swait.ge [sflag:s17], $0x2710  }
0x14: {  	[sflag:s17] =	ssyncset.done $0x0  }
0x15: {  	[sflag:s17] =	ssyncadd.s32 $0xFFFFD8F0  }
0x16: {  	[tilespmem:s18], [sflag:$0x3] =	stream.linear.gather [hbm4b:s6+s3], $0x2710, $0x38;
	[tilespmem:$0x8020] =	vst v63  }
0x17: {  	_ =	swait.ge [sflag:s17], $0x2710  }
0x18: {  	[sflag:s17] =	ssyncset.done $0x0  }
0x19: {  	s26 =	simm.s32 $0x40;
	s28 =	simm.s32 $0x0;
	[sflag:s17] =	ssyncadd.s32 $0xFFFFD8F0  }
.LBB2_2:
0x1a: {  	p0 =	sne.s32 s26, $0x13C0;
	[tilespmem:s28+$0x4E20] =	vst v0;
	s28 =	smov.u32 s26;
	s26 =	sadd.s32 $0x40, s26  }
.Ltmp0:
0x1b: {  	(pc) =	sbr.rel @p0 .LBB2_2-.Ltmp0, $2  }
0x1c: {  	_ =	sdelay $0x2  }
0x1d: {  	s28 =	sshra.s32 s28, $0x2  }
0x1e: {  	[tilespmem:s28+$0x4E20] =	vst v0  }
0x1f: {  	[spmem:s7] =	stream.linear.scatter [tilespmem:s19], [sflag:$0x3], $0x500, $0x38;
	[tilespmem:$0x8020] =	vst v63  }
0x20: {  	_ =	swait.ge [sflag:s17], $0x500  }
0x21: {  	[sflag:s17] =	ssyncset.done $0x0  }
0x22: {  	[sflag:s17] =	ssyncadd.s32 $0xFFFFFB00  }
0x23: {  	[spmem:s8] =	stream.linear.scatter [tilespmem:s19], [sflag:$0x3], $0x500, $0x38;
	[tilespmem:$0x8020] =	vst v63  }
0x24: {  	_ =	swait.ge [sflag:s17], $0x500  }
0x25: {  	[sflag:s17] =	ssyncset.done $0x0  }
0x26: {  	[sflag:s17] =	ssyncadd.s32 $0xFFFFFB00  }
0x27: {  	[spmem:s9] =	stream.linear.scatter [tilespmem:s19], [sflag:$0x3], $0x500, $0x38;
	[tilespmem:$0x8020] =	vst v63  }
0x28: {  	_ =	swait.ge [sflag:s17], $0x500  }
0x29: {  	[sflag:s17] =	ssyncset.done $0x0  }
0x2a: {  	[sflag:s17] =	ssyncadd.s32 $0xFFFFFB00  }
0x2b: {  	[spmem:s10] =	stream.linear.scatter [tilespmem:s19], [sflag:$0x3], $0x500, $0x38;
	[tilespmem:$0x8020] =	vst v63  }
0x2c: {  	_ =	swait.ge [sflag:s17], $0x500  }
0x2d: {  	[sflag:s17] =	ssyncset.done $0x0  }
0x2e: {  	[sflag:s17] =	ssyncadd.s32 $0xFFFFFB00  }
0x2f: {  	[spmem:s11] =	stream.linear.scatter [tilespmem:s19], [sflag:$0x3], $0x500, $0x38;
	[tilespmem:$0x8020] =	vst v63  }
0x30: {  	_ =	swait.ge [sflag:s17], $0x500  }
0x31: {  	[sflag:s17] =	ssyncset.done $0x0  }
0x32: {  	[sflag:s17] =	ssyncadd.s32 $0xFFFFFB00  }
0x33: {  	[spmem:s12] =	stream.linear.scatter [tilespmem:s19], [sflag:$0x3], $0x500, $0x38;
	[tilespmem:$0x8020] =	vst v63  }
0x34: {  	_ =	swait.ge [sflag:s17], $0x500  }
0x35: {  	[sflag:s17] =	ssyncset.done $0x0  }
0x36: {  	[sflag:s17] =	ssyncadd.s32 $0xFFFFFB00  }
0x37: {  	[spmem:s13] =	stream.linear.scatter [tilespmem:s19], [sflag:$0x3], $0x500, $0x38;
	[tilespmem:$0x8020] =	vst v63  }
0x38: {  	_ =	swait.ge [sflag:s17], $0x500  }
0x39: {  	[sflag:s17] =	ssyncset.done $0x0  }
0x3a: {  	[sflag:s17] =	ssyncadd.s32 $0xFFFFFB00  }
0x3b: {  	[spmem:s14] =	stream.linear.scatter [tilespmem:s19], [sflag:$0x3], $0x500, $0x38;
	[tilespmem:$0x8020] =	vst v63  }
0x3c: {  	_ =	swait.ge [sflag:s17], $0x500  }
0x3d: {  	[sflag:s17] =	ssyncset.done $0x0  }
0x3e: {  	[sflag:s17] =	ssyncadd.s32 $0xFFFFFB00  }
0x3f: {  	s26 =	simm.s32 $0x0;
	[bflag:$0x0] =	sbarrier.arrive $0xFFFF  }
0x40: {  	[tilespmem:s19], [sflag:$0x1] =	stream.indirect.gather [hbm4b:s4+s20], $0x10, s26, s20, $0xb8;
	[tilespmem:$0x8020] =	vst v63  }
0x41: {  	s31 =	simm.s32 $0x50  }
0x42: {  	[tilespmem:s21], [sflag:$0x2] =	stream.indirect.gather [hbm4b:s4+s20], $0x10, s31, s20, $0xb8;
	[tilespmem:$0x8020] =	vst v63  }
0x43: {  	_ =	swait.ge [sflag:s22], $0x500  }
0x44: {  	[sflag:s22] =	ssyncset.done $0x0  }
0x45: {  	s29 =	simm.s32 $0x2710;
	[sflag:s22] =	ssyncadd.s32 $0xFFFFFB00  }
0x46: {  	[spmem:s2] =	stream.indirect.scatter.add.f32 [tilespmem:s19], [sflag:$0x3], $0x10, s29, s20, $0xb8;
	[tilespmem:$0x8020] =	vst v63  }
0x47: {  	_ =	swait.ge [sflag:s17], $0x500  }
0x48: {  	[sflag:s17] =	ssyncset.done $0x0  }
0x49: {  	s30 =	simm.s32 $0xA0;
	[sflag:s17] =	ssyncadd.s32 $0xFFFFFB00  }
0x4a: {  	[tilespmem:s19], [sflag:$0x1] =	stream.indirect.gather [hbm4b:s4+s20], $0x10, s30, s20, $0xb8;
	[tilespmem:$0x8020] =	vst v63  }
0x4b: {  	_ =	swait.ge [sflag:s23], $0x500  }
0x4c: {  	[sflag:s23] =	ssyncset.done $0x0  }
0x4d: {  	s31 =	simm.s32 $0x2760;
	[sflag:s23] =	ssyncadd.s32 $0xFFFFFB00  }
0x4e: {  	[spmem:s2] =	stream.indirect.scatter.add.f32 [tilespmem:s21], [sflag:$0x3], $0x10, s31, s20, $0xb8;
	[tilespmem:$0x8020] =	vst v63  }
0x4f: {  	_ =	swait.ge [sflag:s17], $0x500  }
0x50: {  	s28 =	simm.s32 $0x500;
	s26 =	simm.s32 $0xA0;
	[sflag:s17] =	ssyncset.done $0x0  }
.LBB2_4:
0x51: {  	s29 =	sadd.s32 $0x50, s26  }
0x52: {  	[sflag:s17] =	ssyncadd.s32 $0xFFFFFB00;
	s30 =	smov.u32 s28;
	s31 =	sadd.s32 $0x280, s28  }
0x53: {  	[tilespmem:s21], [sflag:$0x2] =	stream.indirect.gather [hbm4b:s4+s20], $0x10, s29, s20, $0xb8;
	[tilespmem:$0x8020] =	vst v63  }
0x54: {  	p0 =	sne.s32 s28, $0x9880;
	_ =	swait.ge [sflag:s22], $0x500  }
0x55: {  	[sflag:s22] =	ssyncset.done $0x0  }
0x56: {  	s28 =	sadd.s32 $0x2710, s26;
	[sflag:s22] =	ssyncadd.s32 $0xFFFFFB00  }
0x57: {  	[spmem:s2] =	stream.indirect.scatter.add.f32 [tilespmem:s19], [sflag:$0x3], $0x10, s28, s20, $0xb8;
	[tilespmem:$0x8020] =	vst v63  }
0x58: {  	_ =	swait.ge [sflag:s17], $0x500  }
0x59: {  	[sflag:s17] =	ssyncset.done $0x0  }
0x5a: {  	s28 =	sadd.s32 $0xA0, s26;
	[sflag:s17] =	ssyncadd.s32 $0xFFFFFB00  }
0x5b: {  	[tilespmem:s19], [sflag:$0x1] =	stream.indirect.gather [hbm4b:s4+s20], $0x10, s28, s20, $0xb8;
	[tilespmem:$0x8020] =	vst v63  }
0x5c: {  	_ =	swait.ge [sflag:s23], $0x500  }
.Ltmp1:
0x5d: {  	[sflag:s23] =	ssyncset.done $0x0;
	(pc) =	sbr.rel @p0 .LBB2_4-.Ltmp1, $4  }
0x5e: {  	s26 =	sadd.s32 $0x2760, s26;
	[sflag:s23] =	ssyncadd.s32 $0xFFFFFB00  }
0x5f: {  	[spmem:s2] =	stream.indirect.scatter.add.f32 [tilespmem:s21], [sflag:$0x3], $0x10, s26, s20, $0xb8;
	[tilespmem:$0x8020] =	vst v63  }
0x60: {  	_ =	swait.ge [sflag:s17], $0x500  }
0x61: {  	s28 =	smov.u32 s31;
	s26 =	sshra.s32 s30, $0x2;
	[sflag:s17] =	ssyncset.done $0x0  }
0x62: {  	s28 =	sadd.s32 $0x50, s26;
	[sflag:s17] =	ssyncadd.s32 $0xFFFFFB00  }
0x63: {  	[tilespmem:s21], [sflag:$0x2] =	stream.indirect.gather [hbm4b:s4+s20], $0x10, s28, s20, $0xb8;
	[tilespmem:$0x8020] =	vst v63  }
0x64: {  	_ =	swait.ge [sflag:s22], $0x500  }
0x65: {  	[sflag:s22] =	ssyncset.done $0x0  }
0x66: {  	s30 =	sadd.s32 $0x2710, s26;
	[sflag:s22] =	ssyncadd.s32 $0xFFFFFB00  }
0x67: {  	[spmem:s2] =	stream.indirect.scatter.add.f32 [tilespmem:s19], [sflag:$0x3], $0x10, s30, s20, $0xb8;
	[tilespmem:$0x8020] =	vst v63  }
0x68: {  	_ =	swait.ge [sflag:s17], $0x500  }
0x69: {  	[sflag:s17] =	ssyncset.done $0x0  }
0x6a: {  	s31 =	sadd.s32 $0xA0, s26;
	[sflag:s17] =	ssyncadd.s32 $0xFFFFFB00  }
0x6b: {  	[tilespmem:s19], [sflag:$0x1] =	stream.indirect.gather [hbm4b:s4+s20], $0x10, s31, s20, $0xb8;
	[tilespmem:$0x8020] =	vst v63  }
0x6c: {  	_ =	swait.ge [sflag:s23], $0x500  }
0x6d: {  	[sflag:s23] =	ssyncset.done $0x0  }
0x6e: {  	s29 =	sadd.s32 $0x2760, s26;
	[sflag:s23] =	ssyncadd.s32 $0xFFFFFB00  }
0x6f: {  	[spmem:s2] =	stream.indirect.scatter.add.f32 [tilespmem:s21], [sflag:$0x3], $0x10, s29, s20, $0xb8;
	[tilespmem:$0x8020] =	vst v63  }
0x70: {  	_ =	swait.ge [sflag:s17], $0x500  }
0x71: {  	[sflag:s17] =	ssyncset.done $0x0  }
0x72: {  	[sflag:s17] =	ssyncadd.s32 $0xFFFFFB00  }
0x73: {  	_ =	swait.ge [sflag:s22], $0x500  }
0x74: {  	[sflag:s22] =	ssyncset.done $0x0  }
0x75: {  	[sflag:s22] =	ssyncadd.s32 $0xFFFFFB00  }
0x76: {  	[spmem:s2] =	stream.indirect.scatter.add.f32 [tilespmem:s19], [sflag:$0x3], $0x10, s24, s20, $0xb8;
	[tilespmem:$0x8020] =	vst v63  }
0x77: {  	_ =	swait.ge [sflag:s17], $0x500  }
0x78: {  	s25 =	sadd.s32 $0x1, s25;
	s30 =	sshll.u32 s0, $0x6;
	[sflag:s17] =	ssyncset.done $0x0  }
0x79: {  	p0 =	sne.s32 s25, s16;
	s26 =	sor.u32 $0x1C03, s30;
	[sflag:s17] =	ssyncadd.s32 $0xFFFFFB00  }
.Ltmp2:
0x7a: {  	s31 =	sshrl.u32 s7, $0x3;
	[bflag:$0x0] =	sbarrier.arrive $0xFFFF;
	(pc) =	sbr.rel @p0 .LBB2_1-.Ltmp2, $4  }
0x7b: {  	[hbm:s15], [sflag:s26] =	dma.local [spmem:s31], $0x500  }
0x7c: {  	_ =	swait.ge [sflag:s17], $0x500  }
0x7d: {  	[sflag:s17] =	ssyncset.done $0x0  }
0x7e: {  	[sflag:s17] =	ssyncadd.s32 $0xFFFFFB00  }
0x7f: {  	_ =	sfence.sel $0x180000  }
0x80: {  	[bflag:$0x0] =	sbarrier.arrive $0xFFFF  }
0x81: {  	p0 =	sne.s32 s0, $0x0;
	_ =	strace $0x9000004D  }
0x82: {  	s0 =	sadd.s32 @!p0 $0x100000, s1;
	[bflag:$0x2] =	sbarrier.arrive $0xFFFF  }
0x83: {  	[sflag:s0] =	ssyncadd.tile.s32 @!p0 $0x1;
	_ =	shalt  }
.Lfunc_end2:
_tile_overlayer_lowered:
.L_overlay_start_2:
0x84: {  	(tag) =	ssettag $0x2  }
0x85: {  	s0 =	rddreg [dreg:$0x0];
	s2 =	stileid.u32  }
0x86: {  	s1 =	rddreg [dreg:$0x1];
	p0 =	sne.s32 s2, $0x0  }
0x87: {  	s3 =	rddreg [dreg:$0x2];
	[bflag:$0x3] =	sbarrier.arrive $0xFFFF;
	s2 =	simm.s32 @!p0 $0x1C03  }
0x88: {  	[timem:s3], [sflag:s2] =	dma.local @!p0 [hbm:s0], s1  }
0x89: {  	s0 =	simm.s32 @!p0 $0x3  }
0x8a: {  	_ =	swait.ge @!p0 [sflag:s0], s1  }
0x8b: {  	s1 =	ssub.s32 @!p0 $0x0, s1;
	[sflag:s0] =	ssyncset.done @!p0 $0x0  }
0x8c: {  	[sflag:s0] =	ssyncadd.s32 @!p0 s1  }
0x8d: {  	[bflag:$0x3] =	sbarrier.arrive $0xFFFF  }
0x8e: {  	_ =	shalt  }

// kernel: kernel.8.cloned.1.call-start
scs
__scs_entry_jumppad:
0x0: {  	(pc) =	sbr.rel $0x88, $3  }
0x1: {  	(tag) =	ssettag $0x0;
	lr =	simm.s32 $0x1  }
0x2: {  	[smem:$0x3F9B] =	sst lr;
	_ =	strace $0xD0000000  }
0x3: {  	_ = 	snop  }
0x4: {  	_ = 	snop  }
0x5: {  	_ = 	snop  }
0x6: {  	_ = 	snop  }
0x7: {  	_ = 	snop  }
__scs_overlays_trampoline_lowered:
0x8: {  	[smem:$0x3FAA] =	sst s0  }
0x9: {  	[smem:$0x3FAB] =	sst s1  }
0xa: {  	[smem:$0x3FAC] =	sst s2  }
0xb: {  	[smem:$0x3FAD] =	sst s3  }
0xc: {  	[smem:$0x3FAE] =	sst s4  }
0xd: {  	[smem:$0x3FAF] =	sst s5  }
0xe: {  	[smem:$0x3FB0] =	sst s6  }
0xf: {  	[smem:$0x3FB1] =	sst s7  }
0x10: {  	[smem:$0x3FB2] =	sst s8  }
0x11: {  	[smem:$0x3FB3] =	sst s9;
	s0 =	simm.s32 @!p0 $0x0  }
0x12: {  	s1 =	sld [smem:$0x3F99];
	s0 =	simm.s32 @p0 $0x1  }
0x13: {  	[smem:$0x3FB4] =	sst s0;
	s0 =	simm.s32 @!p1 $0x0  }
0x14: {  	s2 =	sld [smem:$0x3F98];
	s0 =	simm.s32 @p1 $0x1  }
0x15: {  	[smem:$0x3FB5] =	sst s0;
	s0 =	simm.s32 @!p2 $0x0  }
0x16: {  	s3 =	sld [smem:$0x3FDB];
	s0 =	simm.s32 @p2 $0x1  }
0x17: {  	s4 =	simm.s32 $0x1BF5;
	[smem:$0x3FB7] =	sst s0  }
0x18: {  	s0 =	sld [smem:$0x3F9A];
	_ =	swait.ge [sflag:s4], $0x0  }
0x19: {  	s7 =	sld [smem:$0x3F9B]  }
0x1a: {  	s8 =	sadd.s32 $0xFFFFE003, lr  }
0x1b: {  	s9 =	sadd.s32 $0xFFFFFEF7, lr;
	s5 =	simm.s32 $0xFFFFFFFF;
	p2 =	slt.u32 s8, $0xFFFFF086  }
0x1c: {  	p1 =	slt.u32 s9, $0xF7A;
	s5 =	simm.s32 @!p2 $0x0  }
0x1d: {  	s5 =	simm.s32 @p1 $0x1;
	p0 =	seq.s32 s7, s2  }
0x1e: {  	s7 =	smul.u32 @!p0 $0xF7A, s2;
	p2 =	seq.s32 @!p0 s5, $0x0  }
0x1f: {  	s9 =	smul.u32 $0xF7A, s1;
	s8 =	simm.s32 @!p0 $0x1BF5;
	p2 =	por !p2, p0  }
0x20: {  	[sflag:s8] =	ssyncset.s32 @!p0 $0xFFFFF086;
	s6 =	sadd.s32 @!p0 s3, s7;
	s7 =	simm.s32 @!p0 $0x108  }
0x21: {  	s3 =	sadd.s32 s3, s9;
	s6 =	sadd.s32 @!p0 $0x88, s6;
	s7 =	simm.s32 @p2 $0x1082  }
0x22: {  	[simem:s7], [sflag:s8] =	dma.local @!p0 [hbm:s6], $0xF7A  }
0x23: {  	s9 =	sor.u32 $0xD0000000, s2;
	s6 =	simm.s32 $0x108;
	_ =	swait.ge @!p0 [sflag:s8], $0x0  }
0x24: {  	s3 =	sadd.s32 $0x88, s3;
	s6 =	simm.s32 @!p1 $0x1082;
	[sflag:s4] =	ssyncset.s32 $0xFFFFF086  }
0x25: {  	[simem:s6], [sflag:s4] =	dma.local [hbm:s3], $0xF7A  }
0x26: {  	[smem:$0x3F9B] =	sst s1;
	(tag) =	ssettag s2;
	_ =	strace s9  }
0x27: {  	s1 =	sld [smem:$0x3FAB]  }
0x28: {  	s2 =	sld [smem:$0x3FAC]  }
0x29: {  	s4 =	sld [smem:$0x3FAE]  }
0x2a: {  	p0 =	seq.s32 s5, $0x0;
	s5 =	sld [smem:$0x3FAF]  }
0x2b: {  	s6 =	sld [smem:$0x3FB0]  }
0x2c: {  	s7 =	sld [smem:$0x3FB1]  }
0x2d: {  	s3 =	simm.s32 $0x108;
	s8 =	sld [smem:$0x3FB2]  }
0x2e: {  	s3 =	simm.s32 @!p0 $0x1082;
	s9 =	sld [smem:$0x3FB3]  }
0x2f: {  	lr =	sadd.s32 s0, s3;
	s0 =	sld [smem:$0x3FAA]  }
0x30: {  	s3 =	sld [smem:$0x3FAD]  }
0x31: {  	[smem:$0x3FB6] =	sst s10  }
0x32: {  	s10 =	sld [smem:$0x3FB4];
	_ =	sdelay $0x3  }
0x33: {  	p0 =	seq.s32 s10, $0x1;
	s10 =	sld [smem:$0x3FB6];
	_ =	sdelay $0x3  }
0x34: {  	[smem:$0x3FB6] =	sst s10  }
0x35: {  	s10 =	sld [smem:$0x3FB5];
	_ =	sdelay $0x3  }
0x36: {  	p1 =	seq.s32 s10, $0x1;
	s10 =	sld [smem:$0x3FB6];
	_ =	sdelay $0x3  }
0x37: {  	[smem:$0x3FB6] =	sst s10  }
0x38: {  	s10 =	sld [smem:$0x3FB7]  }
0x39: {  	_ = 	snop;
	(pc) =	sbr.ind lr, $3  }
0x3a: {  	_ = 	snop  }
0x3b: {  	_ = 	snop  }
0x3c: {  	p2 =	seq.s32 s10, $0x1;
	s10 =	sld [smem:$0x3FB6]  }
0x3d: {  	_ =	shalt  }
0x3e: {  	_ =	shalt  }
0x3f: {  	_ =	shalt  }
0x40: {  	_ =	shalt  }
0x41: {  	_ =	shalt  }
0x42: {  	_ =	shalt  }
0x43: {  	_ =	shalt  }
0x44: {  	_ =	shalt  }
0x45: {  	_ =	shalt  }
0x46: {  	_ =	shalt  }
0x47: {  	_ =	shalt  }
0x48: {  	_ =	shalt  }
0x49: {  	_ =	shalt  }
0x4a: {  	_ =	shalt  }
0x4b: {  	_ =	shalt  }
0x4c: {  	_ =	shalt  }
0x4d: {  	_ =	shalt  }
0x4e: {  	_ =	shalt  }
0x4f: {  	_ =	shalt  }
0x50: {  	_ =	shalt  }
0x51: {  	_ =	shalt  }
0x52: {  	_ =	shalt  }
0x53: {  	_ =	shalt  }
0x54: {  	_ =	shalt  }
0x55: {  	_ =	shalt  }
0x56: {  	_ =	shalt  }
0x57: {  	_ =	shalt  }
0x58: {  	_ =	shalt  }
0x59: {  	_ =	shalt  }
0x5a: {  	_ =	shalt  }
0x5b: {  	_ =	shalt  }
0x5c: {  	_ =	shalt  }
0x5d: {  	_ =	shalt  }
0x5e: {  	_ =	shalt  }
0x5f: {  	_ =	shalt  }
0x60: {  	_ =	shalt  }
0x61: {  	_ =	shalt  }
0x62: {  	_ =	shalt  }
0x63: {  	_ =	shalt  }
0x64: {  	_ =	shalt  }
0x65: {  	_ =	shalt  }
0x66: {  	_ =	shalt  }
0x67: {  	_ =	shalt  }
0x68: {  	_ =	shalt  }
0x69: {  	_ =	shalt  }
0x6a: {  	_ =	shalt  }
0x6b: {  	_ =	shalt  }
0x6c: {  	_ =	shalt  }
0x6d: {  	_ =	shalt  }
0x6e: {  	_ =	shalt  }
0x6f: {  	_ =	shalt  }
0x70: {  	_ =	shalt  }
0x71: {  	_ =	shalt  }
0x72: {  	_ =	shalt  }
0x73: {  	_ =	shalt  }
0x74: {  	_ =	shalt  }
0x75: {  	_ =	shalt  }
0x76: {  	_ =	shalt  }
0x77: {  	_ =	shalt  }
0x78: {  	_ =	shalt  }
0x79: {  	_ =	shalt  }
0x7a: {  	_ =	shalt  }
0x7b: {  	_ =	shalt  }
0x7c: {  	_ =	shalt  }
0x7d: {  	_ =	shalt  }
0x7e: {  	_ =	shalt  }
0x7f: {  	_ =	shalt  }
0x80: {  	_ =	shalt  }
0x81: {  	_ =	shalt  }
0x82: {  	_ =	shalt  }
0x83: {  	_ =	shalt  }
0x84: {  	_ =	shalt  }
0x85: {  	_ =	shalt  }
0x86: {  	_ =	shalt  }
0x87: {  	_ =	shalt  }
.Lfunc_end0:
.L_simem_size_0:
called_computation_lowered:
.L_overlay_start_0:
0x88: {  	s2 =	sld [smem:$0x3FD9]  }
0x89: {  	s3 =	sld [smem:$0x3FFE];
	_ =	sdelay $0x1  }
0x8a: {  	s1 =	srdreg.scid  }
0x8b: {  	s0 =	sand.u32 $0x1, s1  }
0x8c: {  	s17 =	sshll.u32 s0, $0xA;
	s2 =	sadd.s32 s3, s2  }
0x8d: {  	s2 =	sadd.s32 s2, s17  }
0x8e: {  	[smem:$0x3FC2] =	sst s2  }
0x8f: {  	_ = 	snop  }
0x90: {  	s2 =	sld [smem:$0x3FD0];
	(tm) =	ssettm $0x1  }
0x91: {  	s18 =	sld [smem:$0x3FFB];
	_ =	sdelay $0x3  }
0x92: {  	_ =	strace s18  }
0x93: {  	s3 =	sld [smem:$0x3FFC];
	_ =	sdelay $0x3  }
0x94: {  	_ =	strace s3  }
0x95: {  	s3 =	sld [smem:$0x3FFD];
	_ =	sdelay $0x3  }
0x96: {  	_ =	strace s3  }
0x97: {  	_ =	strace $0x8FFFFFFF  }
0x98: {  	s19 =	sld [smem:$0x3FDB];
	_ =	sdelay $0x1  }
0x99: {  	s4 =	simm.s32 $_scs_section_size  }
0x9a: {  	s5 =	simm.s32 $_size__tile_overlayer_lowered;
	s6 =	simm.s32 $_tile_overlayer_lowered  }
0x9b: {  	s22 =	simm.s32 $0x1BFF;
	s21 =	sshll.u32 s6, $0x1;
	s3 =	sadd.s32 s4, s19  }
0x9c: {  	s7 =	simm.s32 $0x0;
	s20 =	sshll.u32 s5, $0x1;
	s5 =	sadd.s32 s21, s3  }
0x9d: {  	[timem:s7], [sflag:s22] =	dma.local [hbm:s5], s20  }
0x9e: {  	_ =	swait.ge [sflag:s22], s20  }
0x9f: {  	s4 =	ssub.s32 $0x0, s20;
	[sflag:s22] =	ssyncset.done $0x0  }
0xa0: {  	[sflag:s22] =	ssyncadd.s32 s4;
	_ =	sdelay $0x1  }
0xa1: {  	s23 =	simm.s32 $0x1B8B  }
0xa2: {  	_ =	swait.ge [sflag:s23], $0x1  }
0xa3: {  	[sflag:s23] =	ssyncset.done $0x0  }
0xa4: {  	s25 =	simm.s32 $0x1B8E;
	s24 =	sld [smem:$0x3FFE];
	[sflag:s23] =	ssyncadd.s32 $0xFFFFFFFF  }
0xa5: {  	s26 =	simm.s32 $execute0_lowered;
	[smem:$0x3FD2] =	sst s25  }
0xa6: {  	s5 =	sshll.u32 s26, $0x1;
	_ =	strace $0x80000046;
	[dreg:$0x1] =	wrdreg $0xFFFFFFFF  }
0xa7: {  	s28 =	simm.s32 $_size_execute0_lowered;
	s3 =	sadd.s32 s3, s5;
	[dreg:$0x0] =	wrdreg $0x0  }
0xa8: {  	s5 =	sshll.u32 s28, $0x1;
	[dreg:$0x2] =	wrdreg s3  }
0xa9: {  	[dreg:$0x3] =	wrdreg s5  }
0xaa: {  	[dreg:$0x4] =	wrdreg $0xC0  }
0xab: {  	_ =	task [dreg:s7], $0x5FFFF  }
0xac: {  	[dreg:$0x1] =	wrdreg $0xFFFFFFFF  }
0xad: {  	[dreg:$0x0] =	wrdreg $0x60  }
0xae: {  	[dreg:$0x2] =	wrdreg s24  }
0xaf: {  	[dreg:$0x3] =	wrdreg s2  }
0xb0: {  	[dreg:$0x4] =	wrdreg $0x2C100  }
0xb1: {  	[dreg:$0x5] =	wrdreg $0x9  }
0xb2: {  	_ =	task.clear_ibuf [dreg:s7], $0x6FFFF;
	_ =	strace $0x90000046  }
0xb3: {  	s29 =	simm.s32 $0x9;
	_ =	strace $0x80000048  }
0xb4: {  	_ =	swait.ge [sflag:s29], $0x1  }
0xb5: {  	[sflag:s29] =	ssyncadd.s32 $0xFFFFFFFF  }
0xb6: {  	_ =	strace $0x90000048  }
0xb7: {  	_ =	sfence  }
0xb8: {  	s30 =	sld [smem:$0x0];
	_ =	sdelay $0x2  }
0xb9: {  	s31 =	sshll.u32 s1, $0xD;
	s1 =	sshrl.u32 s1, $0x2  }
0xba: {  	s3 =	sand.u32 $0x4000, s31;
	s1 =	sadd.s32 s1, s30  }
0xbb: {  	s0 =	sor.u32 s3, s0;
	s1 =	sshll.u32 s1, $0x11  }
0xbc: {  	s0 =	sor.u32 s1, s0  }
0xbd: {  	s0 =	sadd.s32 $0x8F2B, s0  }
0xbe: {  	[sflag:s0] =	ssyncadd.remote.s32 $0x1  }
0xbf: {  	_ =	sfence.sel $0xFFFF  }
0xc0: {  	[dreg:$0x0] =	wrdreg $0xFFFFFFFF;
	(pc) =	sbr.abs _section_cstart, $3  }
0xc1: {  	[dreg:$0x1] =	wrdreg $0xFFFFFFFF  }
0xc2: {  	_ =	task.clear_ibuf [dreg:s7], $0x2FFFF;
	_ =	strace $0x9FFFFFFF  }
0xc3: {  	(tm) =	ssettm $0x7FFFFFFF  }
tec
execute0_lowered:
.L_overlay_start_1:
0x0: {  	(tag) =	ssettag $0x1  }
0x1: {  	s4 =	rddreg [dreg:$0x0];
	s1 =	srdreg.scid  }
0x2: {  	s0 =	stileid.u32;
	s13 =	rddreg [dreg:$0x1]  }
0x3: {  	s2 =	rddreg [dreg:$0x2];
	s3 =	simm.s32 $0x0;
	s16 =	simm.s32 $0x2710  }
0x4: {  	s17 =	simm.s32 $0x50;
	s18 =	simm.s32 $0x1;
	s21 =	simm.s32 $0x0  }
0x5: {  	s5 =	sand.u32 $0x1, s1;
	s1 =	rddreg [dreg:$0x3];
	s7 =	smul.u32 $0xA000, s0  }
0x6: {  	s30 =	sshll.u32 s0, $0x1;
	[smem:$0x7FF] =	sst s3;
	s9 =	smul.u32 $0x2800, s0  }
0x7: {  	s19 =	sshll.u32 s0, $0x6;
	s6 =	sor.u32 s5, s30;
	_ =	strace $0x80000047  }
0x8: {  	s31 =	ssub.s32 $0x2, s5;
	s10 =	smul.u32 $0x28000, s5;
	s19 =	sor.u32 $0x1C02, s19  }
0x9: {  	s6 =	smul.u32 $0x4E2, s6;
	s8 =	sshrl.u32 s31, $0x1;
	s7 =	sshrl.u32 s7, $0x2  }
0xa: {  	s5 =	sadd.s32 s9, s2;
	s14 =	ssub.s32 s31, s8;
	s12 =	sadd.s32 s7, s2  }
0xb: {  	s11 =	sadd.s32 s9, s10;
	s20 =	sshrl.u32 s5, $0x3;
	s4 =	sadd.s32 s6, s4  }
0xc: {  	s6 =	sadd.s32 $0x500, s12;
	s7 =	sadd.s32 $0xA00, s12;
	s8 =	sadd.s32 $0xF00, s12  }
0xd: {  	s9 =	sadd.s32 $0x1400, s12;
	s10 =	sadd.s32 $0x1900, s12;
	s15 =	sshrl.u32 s11, $0x3  }
0xe: {  	s11 =	sadd.s32 $0x1E00, s12;
	s12 =	sadd.s32 $0x2300, s12;
	s14 =	smax.u32 s14, $0x1  }
0xf: {  	v0 =	vimm.f32 $0.0e+00;
	v1 =	vimm.f32 $1.000000000e+00;
	s4 =	sadd.s32 $0xC000, s4;
	s13 =	sadd.s32 s13, s15;
	s15 =	simm.s32 $0x2  }
.LBB2_1:
0x10: {  	[tilespmem:s3], [sflag:$0x2] =	stream.linear.gather [hbm4b:s4+s3], $0x2710, $0x38;
	[tilespmem:$0x5410] =	vst v63  }
0x11: {  	_ =	swait.ge [sflag:s15], $0x2710  }
0x12: {  	[sflag:s15] =	ssyncset.done $0x0  }
0x13: {  	s22 =	simm.s32 $0x40;
	s23 =	simm.s32 $0x0;
	[sflag:s15] =	ssyncadd.s32 $0xFFFFD8F0  }
.LBB2_2:
0x14: {  	p0 =	sne.s32 s22, $0x13C0;
	[tilespmem:s23+$0x2710] =	vst v0;
	s23 =	smov.u32 s22;
	s22 =	sadd.s32 $0x40, s22  }
.Ltmp0:
0x15: {  	(pc) =	sbr.rel @p0 .LBB2_2-.Ltmp0, $2  }
0x16: {  	_ =	sdelay $0x2  }
0x17: {  	s23 =	sshra.s32 s23, $0x2  }
0x18: {  	[tilespmem:s23+$0x2710] =	vst v0  }
0x19: {  	[spmem:s5] =	stream.linear.scatter [tilespmem:s16], [sflag:$0x2], $0x500, $0x38;
	[tilespmem:$0x5410] =	vst v63  }
0x1a: {  	_ =	swait.ge [sflag:s15], $0x500  }
0x1b: {  	[sflag:s15] =	ssyncset.done $0x0  }
0x1c: {  	[sflag:s15] =	ssyncadd.s32 $0xFFFFFB00  }
0x1d: {  	[spmem:s6] =	stream.linear.scatter [tilespmem:s16], [sflag:$0x2], $0x500, $0x38;
	[tilespmem:$0x5410] =	vst v63  }
0x1e: {  	_ =	swait.ge [sflag:s15], $0x500  }
0x1f: {  	[sflag:s15] =	ssyncset.done $0x0  }
0x20: {  	[sflag:s15] =	ssyncadd.s32 $0xFFFFFB00  }
0x21: {  	[spmem:s7] =	stream.linear.scatter [tilespmem:s16], [sflag:$0x2], $0x500, $0x38;
	[tilespmem:$0x5410] =	vst v63  }
0x22: {  	_ =	swait.ge [sflag:s15], $0x500  }
0x23: {  	[sflag:s15] =	ssyncset.done $0x0  }
0x24: {  	[sflag:s15] =	ssyncadd.s32 $0xFFFFFB00  }
0x25: {  	[spmem:s8] =	stream.linear.scatter [tilespmem:s16], [sflag:$0x2], $0x500, $0x38;
	[tilespmem:$0x5410] =	vst v63  }
0x26: {  	_ =	swait.ge [sflag:s15], $0x500  }
0x27: {  	[sflag:s15] =	ssyncset.done $0x0  }
0x28: {  	[sflag:s15] =	ssyncadd.s32 $0xFFFFFB00  }
0x29: {  	[spmem:s9] =	stream.linear.scatter [tilespmem:s16], [sflag:$0x2], $0x500, $0x38;
	[tilespmem:$0x5410] =	vst v63  }
0x2a: {  	_ =	swait.ge [sflag:s15], $0x500  }
0x2b: {  	[sflag:s15] =	ssyncset.done $0x0  }
0x2c: {  	[sflag:s15] =	ssyncadd.s32 $0xFFFFFB00  }
0x2d: {  	[spmem:s10] =	stream.linear.scatter [tilespmem:s16], [sflag:$0x2], $0x500, $0x38;
	[tilespmem:$0x5410] =	vst v63  }
0x2e: {  	_ =	swait.ge [sflag:s15], $0x500  }
0x2f: {  	[sflag:s15] =	ssyncset.done $0x0  }
0x30: {  	[sflag:s15] =	ssyncadd.s32 $0xFFFFFB00  }
0x31: {  	[spmem:s11] =	stream.linear.scatter [tilespmem:s16], [sflag:$0x2], $0x500, $0x38;
	[tilespmem:$0x5410] =	vst v63  }
0x32: {  	_ =	swait.ge [sflag:s15], $0x500  }
0x33: {  	[sflag:s15] =	ssyncset.done $0x0  }
0x34: {  	[sflag:s15] =	ssyncadd.s32 $0xFFFFFB00  }
0x35: {  	[spmem:s12] =	stream.linear.scatter [tilespmem:s16], [sflag:$0x2], $0x500, $0x38;
	[tilespmem:$0x5410] =	vst v63  }
0x36: {  	_ =	swait.ge [sflag:s15], $0x500  }
0x37: {  	[sflag:s15] =	ssyncset.done $0x0  }
0x38: {  	s22 =	simm.s32 $0x40;
	s23 =	simm.s32 $0x0;
	[sflag:s15] =	ssyncadd.s32 $0xFFFFFB00  }
.LBB2_4:
0x39: {  	p0 =	sne.s32 s22, $0x13C0;
	[tilespmem:s23+$0x2710] =	vst v1;
	s23 =	smov.u32 s22;
	s22 =	sadd.s32 $0x40, s22  }
.Ltmp1:
0x3a: {  	(pc) =	sbr.rel @p0 .LBB2_4-.Ltmp1, $2  }
0x3b: {  	_ =	sdelay $0x2  }
0x3c: {  	s23 =	sshra.s32 s23, $0x2  }
0x3d: {  	[tilespmem:s23+$0x2710] =	vst v1  }
0x3e: {  	s22 =	simm.s32 $0x0;
	[bflag:$0x0] =	sbarrier.arrive $0xFFFF  }
.LBB2_6:
0x3f: {  	p0 =	sne.s32 s22, $0x9B00  }
.Ltmp2:
0x40: {  	_ = 	snop;
	(pc) =	sbr.rel @p0 .LBB2_6-.Ltmp2, $3  }
0x41: {  	_ =	sdelay $0x1  }
0x42: {  	s23 =	sshra.s32 s22, $0x2;
	s22 =	sadd.s32 $0x140, s22  }
0x43: {  	[spmem:s2] =	stream.indirect.scatter.add.f32 [tilespmem:s16], [sflag:$0x1], $0x10, s23, s17, $0xb8;
	[tilespmem:$0x5410] =	vst v63  }
0x44: {  	_ =	swait.ge [sflag:s18], $0x500  }
0x45: {  	s22 =	simm.s32 $0x7C;
	[sflag:s18] =	ssyncset.done $0x0  }
.LBB2_8:
0x46: {  	p0 =	sne.s32 s22, $0x1;
	s22 =	sadd.s32 $0xFFFFFFFF, s22;
	[sflag:s18] =	ssyncadd.s32 $0xFFFFFB00  }
.Ltmp3:
0x47: {  	(pc) =	sbr.rel @p0 .LBB2_8-.Ltmp3, $3  }
0x48: {  	_ =	sdelay $0x1  }
0x49: {  	_ =	swait.ge [sflag:s18], $0x500  }
0x4a: {  	[sflag:s18] =	ssyncset.done $0x0  }
0x4b: {  	s21 =	sadd.s32 $0x1, s21  }
0x4c: {  	[sflag:s18] =	ssyncadd.s32 $0xFFFFFB00;
	p0 =	sne.s32 s21, s14  }
.Ltmp4:
0x4d: {  	[bflag:$0x0] =	sbarrier.arrive $0xFFFF;
	(pc) =	sbr.rel @p0 .LBB2_1-.Ltmp4, $4  }
0x4e: {  	[hbm:s13], [sflag:s19] =	dma.local [spmem:s20], $0x500  }
0x4f: {  	_ =	swait.ge [sflag:s15], $0x500  }
0x50: {  	[sflag:s15] =	ssyncset.done $0x0  }
0x51: {  	[sflag:s15] =	ssyncadd.s32 $0xFFFFFB00  }
0x52: {  	_ =	sfence.sel $0x180000  }
0x53: {  	[bflag:$0x0] =	sbarrier.arrive $0xFFFF  }
0x54: {  	p0 =	sne.s32 s0, $0x0;
	_ =	strace $0x90000047  }
0x55: {  	s0 =	sadd.s32 @!p0 $0x100000, s1;
	[bflag:$0x2] =	sbarrier.arrive $0xFFFF  }
0x56: {  	[sflag:s0] =	ssyncadd.tile.s32 @!p0 $0x1;
	_ =	shalt  }
.Lfunc_end2:
_tile_overlayer_lowered:
.L_overlay_start_2:
0x57: {  	(tag) =	ssettag $0x2  }
0x58: {  	s0 =	rddreg [dreg:$0x0];
	s2 =	stileid.u32  }
0x59: {  	s1 =	rddreg [dreg:$0x1];
	p0 =	sne.s32 s2, $0x0  }
0x5a: {  	s3 =	rddreg [dreg:$0x2];
	[bflag:$0x3] =	sbarrier.arrive $0xFFFF;
	s2 =	simm.s32 @!p0 $0x1C02  }
0x5b: {  	[timem:s3], [sflag:s2] =	dma.local @!p0 [hbm:s0], s1  }
0x5c: {  	s0 =	simm.s32 @!p0 $0x2  }
0x5d: {  	_ =	swait.ge @!p0 [sflag:s0], s1  }
0x5e: {  	s1 =	ssub.s32 @!p0 $0x0, s1;
	[sflag:s0] =	ssyncset.done @!p0 $0x0  }
0x5f: {  	[sflag:s0] =	ssyncadd.s32 @!p0 s1  }
0x60: {  	[bflag:$0x3] =	sbarrier.arrive $0xFFFF  }
0x61: {  	_ =	shalt  }

</sc_bundles>
